<compile_context>
chip_gen: v7x
topology: tpu7x:2x2x1
jax: 0.10.2.dev20260603
libtpu: 0.0.44.dev20260713+nightly
codegen_flags: <defaults>
</compile_context>

<pallas_src>
import functools

import jax
import jax.numpy as jnp
from jax import lax
from jax.experimental import pallas as pl
from jax.experimental.pallas import tpu as pltpu
from jax.experimental.pallas import tpu_sc as plsc

_FEATURE_DIM = 64
_BOARD_SIZE = 15
_PCODE_DIM = 2380
_EMBED_DIM = 2 * (_PCODE_DIM + 1)
_CELL_DIM = _BOARD_SIZE * _BOARD_SIZE
_LISTCAP = 240
_CHUNK = 8


def _sc_embed(sb, w_small, w_big, batch):
    info = plsc.get_sparse_core_info()
    nc, ns = info.num_cores, info.num_subcores
    nw = nc * ns
    bpw = batch // nw
    n_f = _FEATURE_DIM * _CELL_DIM

    mesh = plsc.VectorSubcoreMesh(core_axis_name="c", subcore_axis_name="s")

    @functools.partial(
        pl.kernel,
        mesh=mesh,
        out_type=jax.ShapeDtypeStruct((batch, n_f), jnp.float32),
        compiler_params=pltpu.CompilerParams(
            use_tc_tiling_on_sc=False, needs_layout_passes=False),
        scratch_types=[
            pltpu.VMEM((4 * (_CELL_DIM + 1),), jnp.int32),
            pltpu.VMEM((_LISTCAP,), jnp.int32),
            pltpu.VMEM((_LISTCAP,), jnp.int32),
            pltpu.VMEM((_LISTCAP,), jnp.int32),
            pltpu.VMEM((_LISTCAP,), jnp.int32),
            pltpu.VMEM((_LISTCAP,), jnp.int32),
            pltpu.VMEM((_LISTCAP, _FEATURE_DIM), jnp.float32),
            pltpu.VMEM((_LISTCAP, _FEATURE_DIM), jnp.float32),
            pltpu.VMEM((_LISTCAP, _FEATURE_DIM), jnp.float32),
            pltpu.VMEM((_LISTCAP, _FEATURE_DIM), jnp.float32),
            pltpu.VMEM((n_f,), jnp.float32),
            pltpu.VMEM((n_f,), jnp.float32),
            pltpu.VMEM((_CELL_DIM, _FEATURE_DIM), jnp.float32),
            pltpu.VMEM((16,), jnp.int32),
            pltpu.VMEM((16,), jnp.int32),
            pltpu.VMEM((2, _FEATURE_DIM), jnp.float32),
            pltpu.VMEM((2, _FEATURE_DIM), jnp.float32),
            pltpu.VMEM((_FEATURE_DIM,), jnp.float32),
            pltpu.VMEM_SHARED((_CELL_DIM, _FEATURE_DIM), jnp.float32),
            pltpu.SemaphoreType.DMA,
        ],
    )
    def k(sb_hbm, wsm_hbm, wbg_hbm, out_hbm,
          sb_v, l0, l1, l2, l3, cid, g0, g1, g2, g3,
          out_v, const_t, const_v, idx2s, idx2b, rows2s, rows2b, crow,
          const_sp, sem):
        cidx = lax.axis_index("c")
        sid = lax.axis_index("s")
        wid = sid * nc + cidx
        zero16 = jnp.zeros((16,), jnp.int32)
        for lst in (l0, l1, l2, l3):
            for q in range(_LISTCAP // 16):
                lst[pl.ds(q * 16, 16)] = zero16
        iota16 = lax.broadcasted_iota(jnp.int32, (16,), 0)
        iota225 = iota16 * _CELL_DIM


        even = (iota16 % 2) == 0
        idx2s[...] = jnp.where(even, jnp.full((16,), _PCODE_DIM, jnp.int32),
                               jnp.full((16,), 2 * _PCODE_DIM + 1, jnp.int32))
        pltpu.async_copy(wsm_hbm.at[idx2s.at[pl.ds(0, 2)]], rows2s,
                         sem).wait()

        def const_body(i, carry):
            c = sid * 15 + i

            @pl.when(c < _CELL_DIM)
            def _():
                off = c * _EMBED_DIM
                idx2b[...] = jnp.where(
                    even, off + _PCODE_DIM, off + 2 * _PCODE_DIM + 1)
                pltpu.async_copy(wbg_hbm.at[idx2b.at[pl.ds(0, 2)]], rows2b,
                                 sem).wait()
                for kk in range(_FEATURE_DIM // 16):
                    fs = pl.ds(kk * 16, 16)
                    crow[fs] = (rows2s[0, fs] + rows2s[1, fs]
                                + rows2b[0, fs] + rows2b[1, fs])
                pltpu.sync_copy(crow, const_sp.at[c])
            return carry

        lax.fori_loop(0, 15, const_body, 0)
        plsc.subcore_barrier()
        pltpu.sync_copy(const_sp, const_v)

        def tr_body(c, carry):
            for kk in range(_FEATURE_DIM // 16):
                v = const_v[c, pl.ds(kk * 16, 16)]
                plsc.store_scatter(
                    const_t, [iota225 + (kk * 16 * _CELL_DIM + c)], v)
            return carry

        lax.fori_loop(0, _CELL_DIM, tr_body, 0)

        blk = 4 * (_CELL_DIM + 1)

        def batch_body(i, carry):
            b = wid * bpw + i
            pltpu.sync_copy(sb_hbm.at[pl.ds(b * blk, blk)], sb_v)

            def compact_chunk(base, lanemask, nvec):
                row = _CELL_DIM + 1
                empty = (sb_v[pl.ds(2 * row + base, 16)]
                         + sb_v[pl.ds(3 * row + base, 16)]) == 0
                if lanemask is not None:
                    empty = empty & lanemask
                cum = plsc.cumsum(jnp.where(empty, 1, 0).astype(jnp.int32))
                cnt = jnp.max(cum)
                pos = nvec + cum - 1
                p0 = sb_v[pl.ds(base, 16)]
                p1 = sb_v[pl.ds(row + base, 16)] + (_PCODE_DIM + 1)
                cells = iota16 + base
                off = cells * _EMBED_DIM
                plsc.store_scatter(l0, [pos], p0, mask=empty)
                plsc.store_scatter(l1, [pos], p1, mask=empty)
                plsc.store_scatter(l2, [pos], p0 + off, mask=empty)
                plsc.store_scatter(l3, [pos], p1 + off, mask=empty)
                plsc.store_scatter(cid, [pos], cells, mask=empty)
                return nvec + cnt

            def compact_body(q, nvec):
                return compact_chunk(q * 16, None, nvec)

            nvec = lax.fori_loop(0, 14, compact_body,
                                 jnp.zeros((16,), jnp.int32))
            nvec = compact_chunk(209, iota16 == 15, nvec)
            n = jnp.max(nvec)
            nch = (n + (_CHUNK - 1)) // _CHUNK

            def issue_body(kc, carry2):
                o = pl.multiple_of(kc * _CHUNK, _CHUNK)
                for lst, g, w in ((l0, g0, wsm_hbm), (l1, g1, wsm_hbm),
                                  (l2, g2, wbg_hbm), (l3, g3, wbg_hbm)):
                    pltpu.async_copy(
                        w.at[lst.at[pl.ds(o, _CHUNK)]],
                        g.at[pl.ds(o, _CHUNK)], sem)
                return carry2

            lax.fori_loop(0, nch, issue_body, 0)

            def copy_body(q, carry2):
                for u in range(4):
                    sl = pl.ds(q * 64 + u * 16, 16)
                    out_v[sl] = const_t[sl]
                return carry2

            lax.fori_loop(0, n_f // 64, copy_body, 0)

            def drain_body(kc, carry2):
                o = pl.multiple_of(kc * _CHUNK, _CHUNK)
                for lst, g, w in ((l0, g0, wsm_hbm), (l1, g1, wsm_hbm),
                                  (l2, g2, wbg_hbm), (l3, g3, wbg_hbm)):
                    pltpu.make_async_copy(
                        w.at[lst.at[pl.ds(o, _CHUNK)]],
                        g.at[pl.ds(o, _CHUNK)], sem).wait()
                return carry2

            lax.fori_loop(0, nch, drain_body, 0)

            def fix_body(j, carry2):
                c = cid[pl.ds(j, 16)][0]
                for kk in range(_FEATURE_DIM // 16):
                    fs = pl.ds(kk * 16, 16)
                    v = g0[j, fs] + g1[j, fs] + g2[j, fs] + g3[j, fs]
                    plsc.store_scatter(
                        out_v, [iota225 + (kk * 16 * _CELL_DIM + c)], v)
                return carry2

            lax.fori_loop(0, n, fix_body, 0)
            pltpu.sync_copy(out_v, out_hbm.at[b])
            return carry

        lax.fori_loop(0, bpw, batch_body, 0)

    return k(sb, w_small, w_big)


def kernel(sparse_feature_input, sparse_feature_dim, board_input,
           pcode_embedding_W, pcode_board_embedding_W, board_offset):
    del sparse_feature_dim, board_offset
    batch = sparse_feature_input.shape[0]
    sb = jnp.concatenate(
        [sparse_feature_input[:, 10:12].reshape(batch, 2, _CELL_DIM),
         board_input.reshape(batch, 2, _CELL_DIM)], axis=1)
    sb = jnp.pad(sb, ((0, 0), (0, 0), (0, 1))).reshape(batch * 4 *
                                                       (_CELL_DIM + 1))
    out = _sc_embed(sb, pcode_embedding_W, pcode_board_embedding_W, batch)
    return out.reshape(batch, _FEATURE_DIM, _BOARD_SIZE, _BOARD_SIZE)

# --- scband reference (transcript-rebuilt; emitter-appended) ---
"""Pipeline reference for scband-pattern-code-board-embedding-83640193122480 (READ-ONLY COPY).

The authoritative reference and input builder live on the scoring server;
editing this copy changes nothing except your own understanding.
"""

import jax, jax.numpy as jnp
import numpy as np

FEATURE_DIM = 64
BOARD_SIZE = 15
PCODE_DIM = 2380
EMBED_DIM = 2 * (PCODE_DIM + 1)  # 4762
CELL_DIM = BOARD_SIZE * BOARD_SIZE  # 225
BATCH = 1024


def setup_inputs(seed: int = 0) -> dict:
    key = jax.random.key(seed)
    k1, k2, k3, k4 = jax.random.split(key, 4)
    sparse_feature_input = jax.random.randint(
        k1, (BATCH, 12, BOARD_SIZE, BOARD_SIZE), 0, PCODE_DIM, dtype=jnp.int32)
    # must equal pcode_dim at columns 10:12 to satisfy the module's assert
    sparse_feature_dim = jnp.full((BATCH, 12), PCODE_DIM, dtype=jnp.int32)
    board_input = jax.random.randint(
        k2, (BATCH, 2, BOARD_SIZE, BOARD_SIZE), 0, 2, dtype=jnp.int32)
    pcode_embedding_W = jax.random.normal(
        k3, (EMBED_DIM, FEATURE_DIM), dtype=jnp.float32) * 0.02
    pcode_board_embedding_W = jax.random.normal(
        k4, (CELL_DIM * EMBED_DIM, FEATURE_DIM), dtype=jnp.float32) * 0.02
    board_offset = (jnp.arange(CELL_DIM, dtype=jnp.int32)
                    .reshape(1, 1, BOARD_SIZE, BOARD_SIZE) * EMBED_DIM)
    return {
        "sparse_feature_input": sparse_feature_input,
        "sparse_feature_dim": sparse_feature_dim,
        "board_input": board_input,
        "pcode_embedding_W": pcode_embedding_W,
        "pcode_board_embedding_W": pcode_board_embedding_W,
        "board_offset": board_offset,
    }


def reference(sparse_feature_input, sparse_feature_dim, board_input,
              pcode_embedding_W, pcode_board_embedding_W, board_offset):
    # faithful translation of PatternCodeBoardEmbedding.forward
    # assert torch.all(pcode_dim == sparse_feature_dim[:, 10:12])
    # (check is a no-op on correct data; kept implicit for jit-compat)
    pcode_sparse = sparse_feature_input[:, jnp.array([10, 11])].astype(jnp.int32)  # [B,2,bs,bs]
    non_empty = (board_input[:, 0] + board_input[:, 1]) > 0   # [B,bs,bs]
    non_empty = non_empty[:, None, :, :]                      # [B,1,bs,bs]
    # masked_fill_(non_empty > 0, pcode_dim)
    pcode_sparse = jnp.where(non_empty, jnp.int32(PCODE_DIM), pcode_sparse)
    # pcode_sparse_input[:, 1] += pcode_dim + 1
    pcode_sparse = pcode_sparse.at[:, 1].add(PCODE_DIM + 1)
    pcode_board_sparse = pcode_sparse + board_offset          # [B,2,bs,bs]
    pcode_feature = jnp.take(pcode_embedding_W, pcode_sparse, axis=0)          # [B,2,bs,bs,F]
    pcode_board_feature = jnp.take(pcode_board_embedding_W, pcode_board_sparse, axis=0)
    pcode_feature = pcode_feature + pcode_board_feature
    pcode_feature = jnp.sum(pcode_feature, axis=1)            # [B,bs,bs,F]
    out = jnp.transpose(pcode_feature, (0, 3, 1, 2))          # [B,F,bs,bs]
    return out

if __name__ == "__main__":
    import jax
    _d = setup_inputs()
    print(jax.jit(kernel)(*tuple(_d.values())))

</pallas_src>

<mosaic_0001>
#map = affine_map<(d0, d1) -> (0)>
#map1 = affine_map<(d0, d1) -> (0, 0)>
module attributes {stable_mosaic.version = 14 : i64} {
  func.func @k(%arg0: i32, %arg1: i32, %arg2: memref<925696xi32, #tpu.memory_space<hbm>>, %arg3: memref<4762x64xf32, #tpu.memory_space<hbm>>, %arg4: memref<1071450x64xf32, #tpu.memory_space<hbm>>, %arg5: memref<1024x14400xf32, #tpu.memory_space<hbm>>, %arg6: memref<904xi32, #tpu.memory_space<vmem>>, %arg7: memref<240xi32, #tpu.memory_space<vmem>>, %arg8: memref<240xi32, #tpu.memory_space<vmem>>, %arg9: memref<240xi32, #tpu.memory_space<vmem>>, %arg10: memref<240xi32, #tpu.memory_space<vmem>>, %arg11: memref<240xi32, #tpu.memory_space<vmem>>, %arg12: memref<240x64xf32, #tpu.memory_space<vmem>>, %arg13: memref<240x64xf32, #tpu.memory_space<vmem>>, %arg14: memref<240x64xf32, #tpu.memory_space<vmem>>, %arg15: memref<240x64xf32, #tpu.memory_space<vmem>>, %arg16: memref<14400xf32, #tpu.memory_space<vmem>>, %arg17: memref<14400xf32, #tpu.memory_space<vmem>>, %arg18: memref<225x64xf32, #tpu.memory_space<vmem>>, %arg19: memref<16xi32, #tpu.memory_space<vmem>>, %arg20: memref<16xi32, #tpu.memory_space<vmem>>, %arg21: memref<2x64xf32, #tpu.memory_space<vmem>>, %arg22: memref<2x64xf32, #tpu.memory_space<vmem>>, %arg23: memref<64xf32, #tpu.memory_space<vmem>>, %arg24: memref<225x64xf32, #tpu.memory_space<vmem_shared>>, %arg25: memref<!tpu.dma_semaphore, #tpu.memory_space<semaphore_mem>>) attributes {dimension_semantics = [#tpu.dimension_semantics<core_parallel>, #tpu.dimension_semantics<subcore_parallel>], iteration_bounds = array<i64: 2, 16>, scalar_prefetch = 0 : i64, scratch_operands = 20 : i64, tpu.core_type = #tpu.core_type<sc_vector_subcore>, window_params = [{transform_indices = #map}, {transform_indices = #map1}, {transform_indices = #map1}, {transform_indices = #map1}]} {
    %mul3A = arith.constant 2 : i32
    %mul3A_0 = arith.muli %arg1, %mul3A : i32
    %add3A = arith.addi %mul3A_0, %arg0 : i32
    %broadcast_in_dim3A = arith.constant 0 : i32
    %broadcast_in_dim3A_1 = vector.broadcast %broadcast_in_dim3A : i32 to vector<16xi32>
    %swap3A = arith.constant 0 : index
    %swap3A_2 = tpu.vector_load %arg7[%swap3A] {strides = array<i32>} : memref<240xi32, #tpu.memory_space<vmem>>, vector<16xi32>,
    tpu.vector_store %arg7[%swap3A], %broadcast_in_dim3A_1 {strides = array<i32>} : memref<240xi32, #tpu.memory_space<vmem>>, vector<16xi32>,
    %swap3A_3 = arith.constant 16 : index
    %swap3A_4 = tpu.vector_load %arg7[%swap3A_3] {strides = array<i32>} : memref<240xi32, #tpu.memory_space<vmem>>, vector<16xi32>,
    tpu.vector_store %arg7[%swap3A_3], %broadcast_in_dim3A_1 {strides = array<i32>} : memref<240xi32, #tpu.memory_space<vmem>>, vector<16xi32>,
    %swap3A_5 = arith.constant 32 : index
    %swap3A_6 = tpu.vector_load %arg7[%swap3A_5] {strides = array<i32>} : memref<240xi32, #tpu.memory_space<vmem>>, vector<16xi32>,
    tpu.vector_store %arg7[%swap3A_5], %broadcast_in_dim3A_1 {strides = array<i32>} : memref<240xi32, #tpu.memory_space<vmem>>, vector<16xi32>,
    %swap3A_7 = arith.constant 48 : index
    %swap3A_8 = tpu.vector_load %arg7[%swap3A_7] {strides = array<i32>} : memref<240xi32, #tpu.memory_space<vmem>>, vector<16xi32>,
    tpu.vector_store %arg7[%swap3A_7], %broadcast_in_dim3A_1 {strides = array<i32>} : memref<240xi32, #tpu.memory_space<vmem>>, vector<16xi32>,
    %swap3A_9 = arith.constant 64 : index
    %swap3A_10 = tpu.vector_load %arg7[%swap3A_9] {strides = array<i32>} : memref<240xi32, #tpu.memory_space<vmem>>, vector<16xi32>,
    tpu.vector_store %arg7[%swap3A_9], %broadcast_in_dim3A_1 {strides = array<i32>} : memref<240xi32, #tpu.memory_space<vmem>>, vector<16xi32>,
    %swap3A_11 = arith.constant 80 : index
    %swap3A_12 = tpu.vector_load %arg7[%swap3A_11] {strides = array<i32>} : memref<240xi32, #tpu.memory_space<vmem>>, vector<16xi32>,
    tpu.vector_store %arg7[%swap3A_11], %broadcast_in_dim3A_1 {strides = array<i32>} : memref<240xi32, #tpu.memory_space<vmem>>, vector<16xi32>,
    %swap3A_13 = arith.constant 96 : index
    %swap3A_14 = tpu.vector_load %arg7[%swap3A_13] {strides = array<i32>} : memref<240xi32, #tpu.memory_space<vmem>>, vector<16xi32>,
    tpu.vector_store %arg7[%swap3A_13], %broadcast_in_dim3A_1 {strides = array<i32>} : memref<240xi32, #tpu.memory_space<vmem>>, vector<16xi32>,
    %swap3A_15 = arith.constant 112 : index
    %swap3A_16 = tpu.vector_load %arg7[%swap3A_15] {strides = array<i32>} : memref<240xi32, #tpu.memory_space<vmem>>, vector<16xi32>,
    tpu.vector_store %arg7[%swap3A_15], %broadcast_in_dim3A_1 {strides = array<i32>} : memref<240xi32, #tpu.memory_space<vmem>>, vector<16xi32>,
    %swap3A_17 = arith.constant 128 : index
    %swap3A_18 = tpu.vector_load %arg7[%swap3A_17] {strides = array<i32>} : memref<240xi32, #tpu.memory_space<vmem>>, vector<16xi32>,
    tpu.vector_store %arg7[%swap3A_17], %broadcast_in_dim3A_1 {strides = array<i32>} : memref<240xi32, #tpu.memory_space<vmem>>, vector<16xi32>,
    %swap3A_19 = arith.constant 144 : index
    %swap3A_20 = tpu.vector_load %arg7[%swap3A_19] {strides = array<i32>} : memref<240xi32, #tpu.memory_space<vmem>>, vector<16xi32>,
    tpu.vector_store %arg7[%swap3A_19], %broadcast_in_dim3A_1 {strides = array<i32>} : memref<240xi32, #tpu.memory_space<vmem>>, vector<16xi32>,
    %swap3A_21 = arith.constant 160 : index
    %swap3A_22 = tpu.vector_load %arg7[%swap3A_21] {strides = array<i32>} : memref<240xi32, #tpu.memory_space<vmem>>, vector<16xi32>,
    tpu.vector_store %arg7[%swap3A_21], %broadcast_in_dim3A_1 {strides = array<i32>} : memref<240xi32, #tpu.memory_space<vmem>>, vector<16xi32>,
    %swap3A_23 = arith.constant 176 : index
    %swap3A_24 = tpu.vector_load %arg7[%swap3A_23] {strides = array<i32>} : memref<240xi32, #tpu.memory_space<vmem>>, vector<16xi32>,
    tpu.vector_store %arg7[%swap3A_23], %broadcast_in_dim3A_1 {strides = array<i32>} : memref<240xi32, #tpu.memory_space<vmem>>, vector<16xi32>,
    %swap3A_25 = arith.constant 192 : index
    %swap3A_26 = tpu.vector_load %arg7[%swap3A_25] {strides = array<i32>} : memref<240xi32, #tpu.memory_space<vmem>>, vector<16xi32>,
    tpu.vector_store %arg7[%swap3A_25], %broadcast_in_dim3A_1 {strides = array<i32>} : memref<240xi32, #tpu.memory_space<vmem>>, vector<16xi32>,
    %swap3A_27 = arith.constant 208 : index
    %swap3A_28 = tpu.vector_load %arg7[%swap3A_27] {strides = array<i32>} : memref<240xi32, #tpu.memory_space<vmem>>, vector<16xi32>,
    tpu.vector_store %arg7[%swap3A_27], %broadcast_in_dim3A_1 {strides = array<i32>} : memref<240xi32, #tpu.memory_space<vmem>>, vector<16xi32>,
    %swap3A_29 = arith.constant 224 : index
    %swap3A_30 = tpu.vector_load %arg7[%swap3A_29] {strides = array<i32>} : memref<240xi32, #tpu.memory_space<vmem>>, vector<16xi32>,
    tpu.vector_store %arg7[%swap3A_29], %broadcast_in_dim3A_1 {strides = array<i32>} : memref<240xi32, #tpu.memory_space<vmem>>, vector<16xi32>,
    %swap3A_31 = arith.constant 0 : index
    %swap3A_32 = tpu.vector_load %arg8[%swap3A_31] {strides = array<i32>} : memref<240xi32, #tpu.memory_space<vmem>>, vector<16xi32>,
    tpu.vector_store %arg8[%swap3A_31], %broadcast_in_dim3A_1 {strides = array<i32>} : memref<240xi32, #tpu.memory_space<vmem>>, vector<16xi32>,
    %swap3A_33 = arith.constant 16 : index
    %swap3A_34 = tpu.vector_load %arg8[%swap3A_33] {strides = array<i32>} : memref<240xi32, #tpu.memory_space<vmem>>, vector<16xi32>,
    tpu.vector_store %arg8[%swap3A_33], %broadcast_in_dim3A_1 {strides = array<i32>} : memref<240xi32, #tpu.memory_space<vmem>>, vector<16xi32>,
    %swap3A_35 = arith.constant 32 : index
    %swap3A_36 = tpu.vector_load %arg8[%swap3A_35] {strides = array<i32>} : memref<240xi32, #tpu.memory_space<vmem>>, vector<16xi32>,
    tpu.vector_store %arg8[%swap3A_35], %broadcast_in_dim3A_1 {strides = array<i32>} : memref<240xi32, #tpu.memory_space<vmem>>, vector<16xi32>,
    %swap3A_37 = arith.constant 48 : index
    %swap3A_38 = tpu.vector_load %arg8[%swap3A_37] {strides = array<i32>} : memref<240xi32, #tpu.memory_space<vmem>>, vector<16xi32>,
    tpu.vector_store %arg8[%swap3A_37], %broadcast_in_dim3A_1 {strides = array<i32>} : memref<240xi32, #tpu.memory_space<vmem>>, vector<16xi32>,
    %swap3A_39 = arith.constant 64 : index
    %swap3A_40 = tpu.vector_load %arg8[%swap3A_39] {strides = array<i32>} : memref<240xi32, #tpu.memory_space<vmem>>, vector<16xi32>,
    tpu.vector_store %arg8[%swap3A_39], %broadcast_in_dim3A_1 {strides = array<i32>} : memref<240xi32, #tpu.memory_space<vmem>>, vector<16xi32>,
    %swap3A_41 = arith.constant 80 : index
    %swap3A_42 = tpu.vector_load %arg8[%swap3A_41] {strides = array<i32>} : memref<240xi32, #tpu.memory_space<vmem>>, vector<16xi32>,
    tpu.vector_store %arg8[%swap3A_41], %broadcast_in_dim3A_1 {strides = array<i32>} : memref<240xi32, #tpu.memory_space<vmem>>, vector<16xi32>,
    %swap3A_43 = arith.constant 96 : index
    %swap3A_44 = tpu.vector_load %arg8[%swap3A_43] {strides = array<i32>} : memref<240xi32, #tpu.memory_space<vmem>>, vector<16xi32>,
    tpu.vector_store %arg8[%swap3A_43], %broadcast_in_dim3A_1 {strides = array<i32>} : memref<240xi32, #tpu.memory_space<vmem>>, vector<16xi32>,
    %swap3A_45 = arith.constant 112 : index
    %swap3A_46 = tpu.vector_load %arg8[%swap3A_45] {strides = array<i32>} : memref<240xi32, #tpu.memory_space<vmem>>, vector<16xi32>,
    tpu.vector_store %arg8[%swap3A_45], %broadcast_in_dim3A_1 {strides = array<i32>} : memref<240xi32, #tpu.memory_space<vmem>>, vector<16xi32>,
    %swap3A_47 = arith.constant 128 : index
    %swap3A_48 = tpu.vector_load %arg8[%swap3A_47] {strides = array<i32>} : memref<240xi32, #tpu.memory_space<vmem>>, vector<16xi32>,
    tpu.vector_store %arg8[%swap3A_47], %broadcast_in_dim3A_1 {strides = array<i32>} : memref<240xi32, #tpu.memory_space<vmem>>, vector<16xi32>,
    %swap3A_49 = arith.constant 144 : index
    %swap3A_50 = tpu.vector_load %arg8[%swap3A_49] {strides = array<i32>} : memref<240xi32, #tpu.memory_space<vmem>>, vector<16xi32>,
    tpu.vector_store %arg8[%swap3A_49], %broadcast_in_dim3A_1 {strides = array<i32>} : memref<240xi32, #tpu.memory_space<vmem>>, vector<16xi32>,
    %swap3A_51 = arith.constant 160 : index
    %swap3A_52 = tpu.vector_load %arg8[%swap3A_51] {strides = array<i32>} : memref<240xi32, #tpu.memory_space<vmem>>, vector<16xi32>,
    tpu.vector_store %arg8[%swap3A_51], %broadcast_in_dim3A_1 {strides = array<i32>} : memref<240xi32, #tpu.memory_space<vmem>>, vector<16xi32>,
    %swap3A_53 = arith.constant 176 : index
    %swap3A_54 = tpu.vector_load %arg8[%swap3A_53] {strides = array<i32>} : memref<240xi32, #tpu.memory_space<vmem>>, vector<16xi32>,
    tpu.vector_store %arg8[%swap3A_53], %broadcast_in_dim3A_1 {strides = array<i32>} : memref<240xi32, #tpu.memory_space<vmem>>, vector<16xi32>,
    %swap3A_55 = arith.constant 192 : index
    %swap3A_56 = tpu.vector_load %arg8[%swap3A_55] {strides = array<i32>} : memref<240xi32, #tpu.memory_space<vmem>>, vector<16xi32>,
    tpu.vector_store %arg8[%swap3A_55], %broadcast_in_dim3A_1 {strides = array<i32>} : memref<240xi32, #tpu.memory_space<vmem>>, vector<16xi32>,
    %swap3A_57 = arith.constant 208 : index
    %swap3A_58 = tpu.vector_load %arg8[%swap3A_57] {strides = array<i32>} : memref<240xi32, #tpu.memory_space<vmem>>, vector<16xi32>,
    tpu.vector_store %arg8[%swap3A_57], %broadcast_in_dim3A_1 {strides = array<i32>} : memref<240xi32, #tpu.memory_space<vmem>>, vector<16xi32>,
    %swap3A_59 = arith.constant 224 : index
    %swap3A_60 = tpu.vector_load %arg8[%swap3A_59] {strides = array<i32>} : memref<240xi32, #tpu.memory_space<vmem>>, vector<16xi32>,
    tpu.vector_store %arg8[%swap3A_59], %broadcast_in_dim3A_1 {strides = array<i32>} : memref<240xi32, #tpu.memory_space<vmem>>, vector<16xi32>,
    %swap3A_61 = arith.constant 0 : index
    %swap3A_62 = tpu.vector_load %arg9[%swap3A_61] {strides = array<i32>} : memref<240xi32, #tpu.memory_space<vmem>>, vector<16xi32>,
    tpu.vector_store %arg9[%swap3A_61], %broadcast_in_dim3A_1 {strides = array<i32>} : memref<240xi32, #tpu.memory_space<vmem>>, vector<16xi32>,
    %swap3A_63 = arith.constant 16 : index
    %swap3A_64 = tpu.vector_load %arg9[%swap3A_63] {strides = array<i32>} : memref<240xi32, #tpu.memory_space<vmem>>, vector<16xi32>,
    tpu.vector_store %arg9[%swap3A_63], %broadcast_in_dim3A_1 {strides = array<i32>} : memref<240xi32, #tpu.memory_space<vmem>>, vector<16xi32>,
    %swap3A_65 = arith.constant 32 : index
    %swap3A_66 = tpu.vector_load %arg9[%swap3A_65] {strides = array<i32>} : memref<240xi32, #tpu.memory_space<vmem>>, vector<16xi32>,
    tpu.vector_store %arg9[%swap3A_65], %broadcast_in_dim3A_1 {strides = array<i32>} : memref<240xi32, #tpu.memory_space<vmem>>, vector<16xi32>,
    %swap3A_67 = arith.constant 48 : index
    %swap3A_68 = tpu.vector_load %arg9[%swap3A_67] {strides = array<i32>} : memref<240xi32, #tpu.memory_space<vmem>>, vector<16xi32>,
    tpu.vector_store %arg9[%swap3A_67], %broadcast_in_dim3A_1 {strides = array<i32>} : memref<240xi32, #tpu.memory_space<vmem>>, vector<16xi32>,
    %swap3A_69 = arith.constant 64 : index
    %swap3A_70 = tpu.vector_load %arg9[%swap3A_69] {strides = array<i32>} : memref<240xi32, #tpu.memory_space<vmem>>, vector<16xi32>,
    tpu.vector_store %arg9[%swap3A_69], %broadcast_in_dim3A_1 {strides = array<i32>} : memref<240xi32, #tpu.memory_space<vmem>>, vector<16xi32>,
    %swap3A_71 = arith.constant 80 : index
    %swap3A_72 = tpu.vector_load %arg9[%swap3A_71] {strides = array<i32>} : memref<240xi32, #tpu.memory_space<vmem>>, vector<16xi32>,
    tpu.vector_store %arg9[%swap3A_71], %broadcast_in_dim3A_1 {strides = array<i32>} : memref<240xi32, #tpu.memory_space<vmem>>, vector<16xi32>,
    %swap3A_73 = arith.constant 96 : index
    %swap3A_74 = tpu.vector_load %arg9[%swap3A_73] {strides = array<i32>} : memref<240xi32, #tpu.memory_space<vmem>>, vector<16xi32>,
    tpu.vector_store %arg9[%swap3A_73], %broadcast_in_dim3A_1 {strides = array<i32>} : memref<240xi32, #tpu.memory_space<vmem>>, vector<16xi32>,
    %swap3A_75 = arith.constant 112 : index
    %swap3A_76 = tpu.vector_load %arg9[%swap3A_75] {strides = array<i32>} : memref<240xi32, #tpu.memory_space<vmem>>, vector<16xi32>,
    tpu.vector_store %arg9[%swap3A_75], %broadcast_in_dim3A_1 {strides = array<i32>} : memref<240xi32, #tpu.memory_space<vmem>>, vector<16xi32>,
    %swap3A_77 = arith.constant 128 : index
    %swap3A_78 = tpu.vector_load %arg9[%swap3A_77] {strides = array<i32>} : memref<240xi32, #tpu.memory_space<vmem>>, vector<16xi32>,
    tpu.vector_store %arg9[%swap3A_77], %broadcast_in_dim3A_1 {strides = array<i32>} : memref<240xi32, #tpu.memory_space<vmem>>, vector<16xi32>,
    %swap3A_79 = arith.constant 144 : index
    %swap3A_80 = tpu.vector_load %arg9[%swap3A_79] {strides = array<i32>} : memref<240xi32, #tpu.memory_space<vmem>>, vector<16xi32>,
    tpu.vector_store %arg9[%swap3A_79], %broadcast_in_dim3A_1 {strides = array<i32>} : memref<240xi32, #tpu.memory_space<vmem>>, vector<16xi32>,
    %swap3A_81 = arith.constant 160 : index
    %swap3A_82 = tpu.vector_load %arg9[%swap3A_81] {strides = array<i32>} : memref<240xi32, #tpu.memory_space<vmem>>, vector<16xi32>,
    tpu.vector_store %arg9[%swap3A_81], %broadcast_in_dim3A_1 {strides = array<i32>} : memref<240xi32, #tpu.memory_space<vmem>>, vector<16xi32>,
    %swap3A_83 = arith.constant 176 : index
    %swap3A_84 = tpu.vector_load %arg9[%swap3A_83] {strides = array<i32>} : memref<240xi32, #tpu.memory_space<vmem>>, vector<16xi32>,
    tpu.vector_store %arg9[%swap3A_83], %broadcast_in_dim3A_1 {strides = array<i32>} : memref<240xi32, #tpu.memory_space<vmem>>, vector<16xi32>,
    %swap3A_85 = arith.constant 192 : index
    %swap3A_86 = tpu.vector_load %arg9[%swap3A_85] {strides = array<i32>} : memref<240xi32, #tpu.memory_space<vmem>>, vector<16xi32>,
    tpu.vector_store %arg9[%swap3A_85], %broadcast_in_dim3A_1 {strides = array<i32>} : memref<240xi32, #tpu.memory_space<vmem>>, vector<16xi32>,
    %swap3A_87 = arith.constant 208 : index
    %swap3A_88 = tpu.vector_load %arg9[%swap3A_87] {strides = array<i32>} : memref<240xi32, #tpu.memory_space<vmem>>, vector<16xi32>,
    tpu.vector_store %arg9[%swap3A_87], %broadcast_in_dim3A_1 {strides = array<i32>} : memref<240xi32, #tpu.memory_space<vmem>>, vector<16xi32>,
    %swap3A_89 = arith.constant 224 : index
    %swap3A_90 = tpu.vector_load %arg9[%swap3A_89] {strides = array<i32>} : memref<240xi32, #tpu.memory_space<vmem>>, vector<16xi32>,
    tpu.vector_store %arg9[%swap3A_89], %broadcast_in_dim3A_1 {strides = array<i32>} : memref<240xi32, #tpu.memory_space<vmem>>, vector<16xi32>,
    %swap3A_91 = arith.constant 0 : index
    %swap3A_92 = tpu.vector_load %arg10[%swap3A_91] {strides = array<i32>} : memref<240xi32, #tpu.memory_space<vmem>>, vector<16xi32>,
    tpu.vector_store %arg10[%swap3A_91], %broadcast_in_dim3A_1 {strides = array<i32>} : memref<240xi32, #tpu.memory_space<vmem>>, vector<16xi32>,
    %swap3A_93 = arith.constant 16 : index
    %swap3A_94 = tpu.vector_load %arg10[%swap3A_93] {strides = array<i32>} : memref<240xi32, #tpu.memory_space<vmem>>, vector<16xi32>,
    tpu.vector_store %arg10[%swap3A_93], %broadcast_in_dim3A_1 {strides = array<i32>} : memref<240xi32, #tpu.memory_space<vmem>>, vector<16xi32>,
    %swap3A_95 = arith.constant 32 : index
    %swap3A_96 = tpu.vector_load %arg10[%swap3A_95] {strides = array<i32>} : memref<240xi32, #tpu.memory_space<vmem>>, vector<16xi32>,
    tpu.vector_store %arg10[%swap3A_95], %broadcast_in_dim3A_1 {strides = array<i32>} : memref<240xi32, #tpu.memory_space<vmem>>, vector<16xi32>,
    %swap3A_97 = arith.constant 48 : index
    %swap3A_98 = tpu.vector_load %arg10[%swap3A_97] {strides = array<i32>} : memref<240xi32, #tpu.memory_space<vmem>>, vector<16xi32>,
    tpu.vector_store %arg10[%swap3A_97], %broadcast_in_dim3A_1 {strides = array<i32>} : memref<240xi32, #tpu.memory_space<vmem>>, vector<16xi32>,
    %swap3A_99 = arith.constant 64 : index
    %swap3A_100 = tpu.vector_load %arg10[%swap3A_99] {strides = array<i32>} : memref<240xi32, #tpu.memory_space<vmem>>, vector<16xi32>,
    tpu.vector_store %arg10[%swap3A_99], %broadcast_in_dim3A_1 {strides = array<i32>} : memref<240xi32, #tpu.memory_space<vmem>>, vector<16xi32>,
    %swap3A_101 = arith.constant 80 : index
    %swap3A_102 = tpu.vector_load %arg10[%swap3A_101] {strides = array<i32>} : memref<240xi32, #tpu.memory_space<vmem>>, vector<16xi32>,
    tpu.vector_store %arg10[%swap3A_101], %broadcast_in_dim3A_1 {strides = array<i32>} : memref<240xi32, #tpu.memory_space<vmem>>, vector<16xi32>,
    %swap3A_103 = arith.constant 96 : index
    %swap3A_104 = tpu.vector_load %arg10[%swap3A_103] {strides = array<i32>} : memref<240xi32, #tpu.memory_space<vmem>>, vector<16xi32>,
    tpu.vector_store %arg10[%swap3A_103], %broadcast_in_dim3A_1 {strides = array<i32>} : memref<240xi32, #tpu.memory_space<vmem>>, vector<16xi32>,
    %swap3A_105 = arith.constant 112 : index
    %swap3A_106 = tpu.vector_load %arg10[%swap3A_105] {strides = array<i32>} : memref<240xi32, #tpu.memory_space<vmem>>, vector<16xi32>,
    tpu.vector_store %arg10[%swap3A_105], %broadcast_in_dim3A_1 {strides = array<i32>} : memref<240xi32, #tpu.memory_space<vmem>>, vector<16xi32>,
    %swap3A_107 = arith.constant 128 : index
    %swap3A_108 = tpu.vector_load %arg10[%swap3A_107] {strides = array<i32>} : memref<240xi32, #tpu.memory_space<vmem>>, vector<16xi32>,
    tpu.vector_store %arg10[%swap3A_107], %broadcast_in_dim3A_1 {strides = array<i32>} : memref<240xi32, #tpu.memory_space<vmem>>, vector<16xi32>,
    %swap3A_109 = arith.constant 144 : index
    %swap3A_110 = tpu.vector_load %arg10[%swap3A_109] {strides = array<i32>} : memref<240xi32, #tpu.memory_space<vmem>>, vector<16xi32>,
    tpu.vector_store %arg10[%swap3A_109], %broadcast_in_dim3A_1 {strides = array<i32>} : memref<240xi32, #tpu.memory_space<vmem>>, vector<16xi32>,
    %swap3A_111 = arith.constant 160 : index
    %swap3A_112 = tpu.vector_load %arg10[%swap3A_111] {strides = array<i32>} : memref<240xi32, #tpu.memory_space<vmem>>, vector<16xi32>,
    tpu.vector_store %arg10[%swap3A_111], %broadcast_in_dim3A_1 {strides = array<i32>} : memref<240xi32, #tpu.memory_space<vmem>>, vector<16xi32>,
    %swap3A_113 = arith.constant 176 : index
    %swap3A_114 = tpu.vector_load %arg10[%swap3A_113] {strides = array<i32>} : memref<240xi32, #tpu.memory_space<vmem>>, vector<16xi32>,
    tpu.vector_store %arg10[%swap3A_113], %broadcast_in_dim3A_1 {strides = array<i32>} : memref<240xi32, #tpu.memory_space<vmem>>, vector<16xi32>,
    %swap3A_115 = arith.constant 192 : index
    %swap3A_116 = tpu.vector_load %arg10[%swap3A_115] {strides = array<i32>} : memref<240xi32, #tpu.memory_space<vmem>>, vector<16xi32>,
    tpu.vector_store %arg10[%swap3A_115], %broadcast_in_dim3A_1 {strides = array<i32>} : memref<240xi32, #tpu.memory_space<vmem>>, vector<16xi32>,
    %swap3A_117 = arith.constant 208 : index
    %swap3A_118 = tpu.vector_load %arg10[%swap3A_117] {strides = array<i32>} : memref<240xi32, #tpu.memory_space<vmem>>, vector<16xi32>,
    tpu.vector_store %arg10[%swap3A_117], %broadcast_in_dim3A_1 {strides = array<i32>} : memref<240xi32, #tpu.memory_space<vmem>>, vector<16xi32>,
    %swap3A_119 = arith.constant 224 : index
    %swap3A_120 = tpu.vector_load %arg10[%swap3A_119] {strides = array<i32>} : memref<240xi32, #tpu.memory_space<vmem>>, vector<16xi32>,
    tpu.vector_store %arg10[%swap3A_119], %broadcast_in_dim3A_1 {strides = array<i32>} : memref<240xi32, #tpu.memory_space<vmem>>, vector<16xi32>,
    %iota3A = tpu.iota {dimensions = array<i32: 0>} : vector<16xi32>
    %mul3A_121 = arith.constant 225 : i32
    %mul3A_122 = vector.broadcast %mul3A_121 : i32 to vector<16xi32>
    %mul3A_123 = arith.muli %iota3A, %mul3A_122 : vector<16xi32>
    %jit3A = arith.constant 2 : i32
    %eq3A = arith.constant 0 : i32
    %eq3A_124 = arith.cmpi eq, %jit3A, %eq3A : i32
    %jit3A_125 = arith.constant 1 : i32
    %select_n3A = arith.select %eq3A_124, %jit3A_125, %jit3A : i32
    %rem3A = vector.broadcast %select_n3A : i32 to vector<16xi32>
    %rem3A_126 = arith.remsi %iota3A, %rem3A : vector<16xi32>
    %ne3A = arith.constant 0 : i32
    %ne3A_127 = vector.broadcast %ne3A : i32 to vector<16xi32>
    %ne3A_128 = arith.cmpi ne, %rem3A_126, %ne3A_127 : vector<16xi32>
    %lt3A = arith.constant 0 : i32
    %lt3A_129 = vector.broadcast %lt3A : i32 to vector<16xi32>
    %lt3A_130 = arith.cmpi slt, %rem3A_126, %lt3A_129 : vector<16xi32>
    %lt3A_131 = arith.constant 0 : i32
    %lt3A_132 = arith.cmpi slt, %select_n3A, %lt3A_131 : i32
    %ne3A_133 = vector.broadcast %lt3A_132 : i1 to vector<16xi1>
    %ne3A_134 = vector.broadcast %ne3A_133 : vector<16xi1> to vector<16xi1>
    %ne3A_135 = arith.xori %lt3A_130, %ne3A_134 : vector<16xi1>
    %and3A = arith.andi %ne3A_135, %ne3A_128 : vector<16xi1>
    %add3A_136 = vector.broadcast %select_n3A : i32 to vector<16xi32>
    %add3A_137 = arith.addi %rem3A_126, %add3A_136 : vector<16xi32>
    %select_n3A_138 = arith.select %and3A, %add3A_137, %rem3A_126 : vector<16xi1>, vector<16xi32>
    %eq3A_139 = arith.constant 0 : i32
    %eq3A_140 = vector.broadcast %eq3A_139 : i32 to vector<16xi32>
    %eq3A_141 = arith.cmpi eq, %select_n3A_138, %eq3A_140 : vector<16xi32>
    %broadcast_in_dim3A_142 = arith.constant 2380 : i32
    %broadcast_in_dim3A_143 = vector.broadcast %broadcast_in_dim3A_142 : i32 to vector<16xi32>
    %broadcast_in_dim3A_144 = arith.constant 4761 : i32
    %broadcast_in_dim3A_145 = vector.broadcast %broadcast_in_dim3A_144 : i32 to vector<16xi32>
    %select_n3A_146 = arith.select %eq3A_141, %broadcast_in_dim3A_143, %broadcast_in_dim3A_145 : vector<16xi1>, vector<16xi32>
    %swap3A_147 = arith.constant 0 : index
    %swap3A_148 = tpu.vector_load %arg19[%swap3A_147] {strides = array<i32>} : memref<16xi32, #tpu.memory_space<vmem>>, vector<16xi32>,
    tpu.vector_store %arg19[%swap3A_147], %select_n3A_146 {strides = array<i32>} : memref<16xi32, #tpu.memory_space<vmem>>, vector<16xi32>,
    %dma_start3A = arith.constant 0 : i32
    %dma_start3A_149 = tpu.memref_slice %arg19[%dma_start3A] : memref<16xi32, #tpu.memory_space<vmem>> -> memref<2xi32, #tpu.memory_space<vmem>>
    %dma_start3A_150 = arith.constant 0 : i32
    %dma_start3A_151 = arith.constant 0 : i32
    %dma_start3A_152 = tpu.memref_slice %arg3[%dma_start3A_150, %dma_start3A_151] : memref<4762x64xf32, #tpu.memory_space<hbm>> -> memref<4762x64xf32, #tpu.memory_space<hbm>>
    tpu.enqueue_indirect_dma source(%dma_start3A_152 : memref<4762x64xf32, #tpu.memory_space<hbm>>) target(%arg21 : memref<2x64xf32, #tpu.memory_space<vmem>>) offsets(%dma_start3A_149 : memref<2xi32, #tpu.memory_space<vmem>>) semaphore(%arg25 : memref<!tpu.dma_semaphore, #tpu.memory_space<semaphore_mem>>)
    %dma_wait3A = arith.constant 0 : i32
    %dma_wait3A_153 = tpu.memref_slice %arg19[%dma_wait3A] : memref<16xi32, #tpu.memory_space<vmem>> -> memref<2xi32, #tpu.memory_space<vmem>>
    %dma_wait3A_154 = arith.constant 0 : i32
    %dma_wait3A_155 = arith.constant 0 : i32
    %dma_wait3A_156 = tpu.memref_slice %arg3[%dma_wait3A_154, %dma_wait3A_155] : memref<4762x64xf32, #tpu.memory_space<hbm>> -> memref<4762x64xf32, #tpu.memory_space<hbm>>
    tpu.wait_indirect_dma semaphore(%arg25 : memref<!tpu.dma_semaphore, #tpu.memory_space<semaphore_mem>>) src(%dma_wait3A_156 : memref<4762x64xf32, #tpu.memory_space<hbm>>) dst(%arg21 : memref<2x64xf32, #tpu.memory_space<vmem>>)
    %scan3A = arith.constant 0 : i32
    %scan3A_157 = arith.constant 0 : i32
    %scan3A_158 = arith.constant 15 : i32
    %scan3A_159 = arith.addi %scan3A_157, %scan3A_158 : i32
    %scan3A_160 = arith.constant 1 : i32
    scf.for %scan3A_174 = %scan3A_157 to %scan3A_159 step %scan3A_160  : i32 {
      %mul3A_175 = arith.constant 15 : i32
      %mul3A_176 = arith.muli %arg1, %mul3A_175 : i32
      %add3A_177 = arith.addi %mul3A_176, %scan3A_174 : i32
      %lt3A_178 = arith.constant 225 : i32
      %lt3A_179 = arith.cmpi slt, %add3A_177, %lt3A_178 : i32
      %convert_element_type3A = arith.extui %lt3A_179 : i1 to i32
      %cond3A = arith.constant 0 : i32
      %cond3A_180 = arith.cmpi ne, %convert_element_type3A, %cond3A : i32
      scf.if %cond3A_180 {
        %mul3A_181 = arith.constant 4762 : i32
        %mul3A_182 = arith.muli %add3A_177, %mul3A_181 : i32
        %add3A_183 = arith.constant 2380 : i32
        %add3A_184 = arith.addi %mul3A_182, %add3A_183 : i32
        %add3A_185 = arith.constant 4760 : i32
        %add3A_186 = arith.addi %mul3A_182, %add3A_185 : i32
        %add3A_187 = arith.constant 1 : i32
        %add3A_188 = arith.addi %add3A_186, %add3A_187 : i32
        %broadcast_in_dim3A_189 = vector.broadcast %add3A_184 : i32 to vector<16xi32>
        %broadcast_in_dim3A_190 = vector.broadcast %add3A_188 : i32 to vector<16xi32>
        %select_n3A_191 = arith.select %eq3A_141, %broadcast_in_dim3A_189, %broadcast_in_dim3A_190 : vector<16xi1>, vector<16xi32>
        %swap3A_192 = arith.constant 0 : index
        %swap3A_193 = tpu.vector_load %arg20[%swap3A_192] {strides = array<i32>} : memref<16xi32, #tpu.memory_space<vmem>>, vector<16xi32>,
        tpu.vector_store %arg20[%swap3A_192], %select_n3A_191 {strides = array<i32>} : memref<16xi32, #tpu.memory_space<vmem>>, vector<16xi32>,
        %dma_start3A_194 = arith.constant 0 : i32
        %dma_start3A_195 = tpu.memref_slice %arg20[%dma_start3A_194] : memref<16xi32, #tpu.memory_space<vmem>> -> memref<2xi32, #tpu.memory_space<vmem>>
        %dma_start3A_196 = arith.constant 0 : i32
        %dma_start3A_197 = arith.constant 0 : i32
        %dma_start3A_198 = tpu.memref_slice %arg4[%dma_start3A_196, %dma_start3A_197] : memref<1071450x64xf32, #tpu.memory_space<hbm>> -> memref<1071450x64xf32, #tpu.memory_space<hbm>>
        tpu.enqueue_indirect_dma source(%dma_start3A_198 : memref<1071450x64xf32, #tpu.memory_space<hbm>>) target(%arg22 : memref<2x64xf32, #tpu.memory_space<vmem>>) offsets(%dma_start3A_195 : memref<2xi32, #tpu.memory_space<vmem>>) semaphore(%arg25 : memref<!tpu.dma_semaphore, #tpu.memory_space<semaphore_mem>>)
        %dma_wait3A_199 = arith.constant 0 : i32
        %dma_wait3A_200 = tpu.memref_slice %arg20[%dma_wait3A_199] : memref<16xi32, #tpu.memory_space<vmem>> -> memref<2xi32, #tpu.memory_space<vmem>>
        %dma_wait3A_201 = arith.constant 0 : i32
        %dma_wait3A_202 = arith.constant 0 : i32
        %dma_wait3A_203 = tpu.memref_slice %arg4[%dma_wait3A_201, %dma_wait3A_202] : memref<1071450x64xf32, #tpu.memory_space<hbm>> -> memref<1071450x64xf32, #tpu.memory_space<hbm>>
        tpu.wait_indirect_dma semaphore(%arg25 : memref<!tpu.dma_semaphore, #tpu.memory_space<semaphore_mem>>) src(%dma_wait3A_203 : memref<1071450x64xf32, #tpu.memory_space<hbm>>) dst(%arg22 : memref<2x64xf32, #tpu.memory_space<vmem>>)
        %get3A = arith.constant 0 : i32
        %get3A_204 = arith.index_cast %get3A : i32 to index
        %get3A_205 = arith.constant 0 : index
        %get3A_206 = tpu.vector_load %arg21[%get3A_204, %get3A_205] {strides = array<i32>} : memref<2x64xf32, #tpu.memory_space<vmem>>, vector<16xf32>,
        %get3A_207 = arith.constant 1 : i32
        %get3A_208 = arith.index_cast %get3A_207 : i32 to index
        %get3A_209 = arith.constant 0 : index
        %get3A_210 = tpu.vector_load %arg21[%get3A_208, %get3A_209] {strides = array<i32>} : memref<2x64xf32, #tpu.memory_space<vmem>>, vector<16xf32>,
        %add3A_211 = arith.addf %get3A_206, %get3A_210 : vector<16xf32>
        %get3A_212 = arith.constant 0 : i32
        %get3A_213 = arith.index_cast %get3A_212 : i32 to index
        %get3A_214 = arith.constant 0 : index
        %get3A_215 = tpu.vector_load %arg22[%get3A_213, %get3A_214] {strides = array<i32>} : memref<2x64xf32, #tpu.memory_space<vmem>>, vector<16xf32>,
        %add3A_216 = arith.addf %add3A_211, %get3A_215 : vector<16xf32>
        %get3A_217 = arith.constant 1 : i32
        %get3A_218 = arith.index_cast %get3A_217 : i32 to index
        %get3A_219 = arith.constant 0 : index
        %get3A_220 = tpu.vector_load %arg22[%get3A_218, %get3A_219] {strides = array<i32>} : memref<2x64xf32, #tpu.memory_space<vmem>>, vector<16xf32>,
        %add3A_221 = arith.addf %add3A_216, %get3A_220 : vector<16xf32>
        %swap3A_222 = arith.constant 0 : index
        %swap3A_223 = tpu.vector_load %arg23[%swap3A_222] {strides = array<i32>} : memref<64xf32, #tpu.memory_space<vmem>>, vector<16xf32>,
        tpu.vector_store %arg23[%swap3A_222], %add3A_221 {strides = array<i32>} : memref<64xf32, #tpu.memory_space<vmem>>, vector<16xf32>,
        %get3A_224 = arith.constant 0 : i32
        %get3A_225 = arith.index_cast %get3A_224 : i32 to index
        %get3A_226 = arith.constant 16 : index
        %get3A_227 = tpu.vector_load %arg21[%get3A_225, %get3A_226] {strides = array<i32>} : memref<2x64xf32, #tpu.memory_space<vmem>>, vector<16xf32>,
        %get3A_228 = arith.constant 1 : i32
        %get3A_229 = arith.index_cast %get3A_228 : i32 to index
        %get3A_230 = arith.constant 16 : index
        %get3A_231 = tpu.vector_load %arg21[%get3A_229, %get3A_230] {strides = array<i32>} : memref<2x64xf32, #tpu.memory_space<vmem>>, vector<16xf32>,
        %add3A_232 = arith.addf %get3A_227, %get3A_231 : vector<16xf32>
        %get3A_233 = arith.constant 0 : i32
        %get3A_234 = arith.index_cast %get3A_233 : i32 to index
        %get3A_235 = arith.constant 16 : index
        %get3A_236 = tpu.vector_load %arg22[%get3A_234, %get3A_235] {strides = array<i32>} : memref<2x64xf32, #tpu.memory_space<vmem>>, vector<16xf32>,
        %add3A_237 = arith.addf %add3A_232, %get3A_236 : vector<16xf32>
        %get3A_238 = arith.constant 1 : i32
        %get3A_239 = arith.index_cast %get3A_238 : i32 to index
        %get3A_240 = arith.constant 16 : index
        %get3A_241 = tpu.vector_load %arg22[%get3A_239, %get3A_240] {strides = array<i32>} : memref<2x64xf32, #tpu.memory_space<vmem>>, vector<16xf32>,
        %add3A_242 = arith.addf %add3A_237, %get3A_241 : vector<16xf32>
        %swap3A_243 = arith.constant 16 : index
        %swap3A_244 = tpu.vector_load %arg23[%swap3A_243] {strides = array<i32>} : memref<64xf32, #tpu.memory_space<vmem>>, vector<16xf32>,
        tpu.vector_store %arg23[%swap3A_243], %add3A_242 {strides = array<i32>} : memref<64xf32, #tpu.memory_space<vmem>>, vector<16xf32>,
        %get3A_245 = arith.constant 0 : i32
        %get3A_246 = arith.index_cast %get3A_245 : i32 to index
        %get3A_247 = arith.constant 32 : index
        %get3A_248 = tpu.vector_load %arg21[%get3A_246, %get3A_247] {strides = array<i32>} : memref<2x64xf32, #tpu.memory_space<vmem>>, vector<16xf32>,
        %get3A_249 = arith.constant 1 : i32
        %get3A_250 = arith.index_cast %get3A_249 : i32 to index
        %get3A_251 = arith.constant 32 : index
        %get3A_252 = tpu.vector_load %arg21[%get3A_250, %get3A_251] {strides = array<i32>} : memref<2x64xf32, #tpu.memory_space<vmem>>, vector<16xf32>,
        %add3A_253 = arith.addf %get3A_248, %get3A_252 : vector<16xf32>
        %get3A_254 = arith.constant 0 : i32
        %get3A_255 = arith.index_cast %get3A_254 : i32 to index
        %get3A_256 = arith.constant 32 : index
        %get3A_257 = tpu.vector_load %arg22[%get3A_255, %get3A_256] {strides = array<i32>} : memref<2x64xf32, #tpu.memory_space<vmem>>, vector<16xf32>,
        %add3A_258 = arith.addf %add3A_253, %get3A_257 : vector<16xf32>
        %get3A_259 = arith.constant 1 : i32
        %get3A_260 = arith.index_cast %get3A_259 : i32 to index
        %get3A_261 = arith.constant 32 : index
        %get3A_262 = tpu.vector_load %arg22[%get3A_260, %get3A_261] {strides = array<i32>} : memref<2x64xf32, #tpu.memory_space<vmem>>, vector<16xf32>,
        %add3A_263 = arith.addf %add3A_258, %get3A_262 : vector<16xf32>
        %swap3A_264 = arith.constant 32 : index
        %swap3A_265 = tpu.vector_load %arg23[%swap3A_264] {strides = array<i32>} : memref<64xf32, #tpu.memory_space<vmem>>, vector<16xf32>,
        tpu.vector_store %arg23[%swap3A_264], %add3A_263 {strides = array<i32>} : memref<64xf32, #tpu.memory_space<vmem>>, vector<16xf32>,
        %get3A_266 = arith.constant 0 : i32
        %get3A_267 = arith.index_cast %get3A_266 : i32 to index
        %get3A_268 = arith.constant 48 : index
        %get3A_269 = tpu.vector_load %arg21[%get3A_267, %get3A_268] {strides = array<i32>} : memref<2x64xf32, #tpu.memory_space<vmem>>, vector<16xf32>,
        %get3A_270 = arith.constant 1 : i32
        %get3A_271 = arith.index_cast %get3A_270 : i32 to index
        %get3A_272 = arith.constant 48 : index
        %get3A_273 = tpu.vector_load %arg21[%get3A_271, %get3A_272] {strides = array<i32>} : memref<2x64xf32, #tpu.memory_space<vmem>>, vector<16xf32>,
        %add3A_274 = arith.addf %get3A_269, %get3A_273 : vector<16xf32>
        %get3A_275 = arith.constant 0 : i32
        %get3A_276 = arith.index_cast %get3A_275 : i32 to index
        %get3A_277 = arith.constant 48 : index
        %get3A_278 = tpu.vector_load %arg22[%get3A_276, %get3A_277] {strides = array<i32>} : memref<2x64xf32, #tpu.memory_space<vmem>>, vector<16xf32>,
        %add3A_279 = arith.addf %add3A_274, %get3A_278 : vector<16xf32>
        %get3A_280 = arith.constant 1 : i32
        %get3A_281 = arith.index_cast %get3A_280 : i32 to index
        %get3A_282 = arith.constant 48 : index
        %get3A_283 = tpu.vector_load %arg22[%get3A_281, %get3A_282] {strides = array<i32>} : memref<2x64xf32, #tpu.memory_space<vmem>>, vector<16xf32>,
        %add3A_284 = arith.addf %add3A_279, %get3A_283 : vector<16xf32>
        %swap3A_285 = arith.constant 48 : index
        %swap3A_286 = tpu.vector_load %arg23[%swap3A_285] {strides = array<i32>} : memref<64xf32, #tpu.memory_space<vmem>>, vector<16xf32>,
        tpu.vector_store %arg23[%swap3A_285], %add3A_284 {strides = array<i32>} : memref<64xf32, #tpu.memory_space<vmem>>, vector<16xf32>,
        "tpu.region"() ({
          %run_scoped3A = tpu.sem_alloc : memref<!tpu.dma_semaphore, #tpu.memory_space<semaphore_mem>>
          %dma_start3A_287 = arith.constant 0 : i32
          %dma_start3A_288 = tpu.memref_slice %arg24[%add3A_177, %dma_start3A_287] : memref<225x64xf32, #tpu.memory_space<vmem_shared>> -> memref<1x64xf32, #tpu.memory_space<vmem_shared>>
          %dma_start3A_289 = tpu.memref_squeeze %dma_start3A_288 : memref<1x64xf32, #tpu.memory_space<vmem_shared>> -> memref<64xf32, #tpu.memory_space<vmem_shared>>
          %dma_start3A_290 = arith.constant 0 : i32
          %dma_start3A_291 = tpu.memref_slice %arg24[%add3A_177, %dma_start3A_290] : memref<225x64xf32, #tpu.memory_space<vmem_shared>> -> memref<1x64xf32, #tpu.memory_space<vmem_shared>>
          %dma_start3A_292 = tpu.memref_squeeze %dma_start3A_291 : memref<1x64xf32, #tpu.memory_space<vmem_shared>> -> memref<64xf32, #tpu.memory_space<vmem_shared>>
          tpu.enqueue_dma source(%arg23 : memref<64xf32, #tpu.memory_space<vmem>>) target(%dma_start3A_292 : memref<64xf32, #tpu.memory_space<vmem_shared>>) target_semaphore(%run_scoped3A : memref<!tpu.dma_semaphore, #tpu.memory_space<semaphore_mem>>)
          %dma_wait3A_293 = arith.constant 0 : i32
          %dma_wait3A_294 = tpu.memref_slice %arg24[%add3A_177, %dma_wait3A_293] : memref<225x64xf32, #tpu.memory_space<vmem_shared>> -> memref<1x64xf32, #tpu.memory_space<vmem_shared>>
          %dma_wait3A_295 = tpu.memref_squeeze %dma_wait3A_294 : memref<1x64xf32, #tpu.memory_space<vmem_shared>> -> memref<64xf32, #tpu.memory_space<vmem_shared>>
          %dma_wait3A_296 = arith.constant 0 : i32
          %dma_wait3A_297 = tpu.memref_slice %arg24[%add3A_177, %dma_wait3A_296] : memref<225x64xf32, #tpu.memory_space<vmem_shared>> -> memref<1x64xf32, #tpu.memory_space<vmem_shared>>
          %dma_wait3A_298 = tpu.memref_squeeze %dma_wait3A_297 : memref<1x64xf32, #tpu.memory_space<vmem_shared>> -> memref<64xf32, #tpu.memory_space<vmem_shared>>
          tpu.wait_dma2 semaphore(%run_scoped3A : memref<!tpu.dma_semaphore, #tpu.memory_space<semaphore_mem>>) src(%arg23 : memref<64xf32, #tpu.memory_space<vmem>>) dst(%dma_wait3A_298 : memref<64xf32, #tpu.memory_space<vmem_shared>>)
          tpu.yield
        }) : () -> ()
      } else {
      }
    }
    %scan3A_161 = arith.constant 15 : i32
    %barrier3A = arith.constant 0 : index
    tpu.barrier barrier_id(%barrier3A)
    "tpu.region"() ({
      %run_scoped3A = tpu.sem_alloc : memref<!tpu.dma_semaphore, #tpu.memory_space<semaphore_mem>>
      tpu.enqueue_dma source(%arg24 : memref<225x64xf32, #tpu.memory_space<vmem_shared>>) target(%arg18 : memref<225x64xf32, #tpu.memory_space<vmem>>) target_semaphore(%run_scoped3A : memref<!tpu.dma_semaphore, #tpu.memory_space<semaphore_mem>>)
      tpu.wait_dma2 semaphore(%run_scoped3A : memref<!tpu.dma_semaphore, #tpu.memory_space<semaphore_mem>>) src(%arg24 : memref<225x64xf32, #tpu.memory_space<vmem_shared>>) dst(%arg18 : memref<225x64xf32, #tpu.memory_space<vmem>>)
      tpu.yield
    }) : () -> ()
    %scan3A_162 = arith.constant 0 : i32
    %scan3A_163 = arith.constant 0 : i32
    %scan3A_164 = arith.constant 225 : i32
    %scan3A_165 = arith.addi %scan3A_163, %scan3A_164 : i32
    %scan3A_166 = arith.constant 1 : i32
    scf.for %scan3A_174 = %scan3A_163 to %scan3A_165 step %scan3A_166  : i32 {
      %get3A = arith.index_cast %scan3A_174 : i32 to index
      %get3A_175 = arith.constant 0 : index
      %get3A_176 = tpu.vector_load %arg18[%get3A, %get3A_175] {strides = array<i32>} : memref<225x64xf32, #tpu.memory_space<vmem>>, vector<16xf32>,
      %add3A_177 = arith.constant 0 : i32
      %add3A_178 = arith.addi %add3A_177, %scan3A_174 : i32
      %add3A_179 = vector.broadcast %add3A_178 : i32 to vector<16xi32>
      %add3A_180 = arith.addi %mul3A_123, %add3A_179 : vector<16xi32>
      tpu.vector_store_idx %arg17[%add3A_180], %get3A_176 : memref<14400xf32, #tpu.memory_space<vmem>>[vector<16xi32>], vector<16xf32>,
      %get3A_181 = arith.index_cast %scan3A_174 : i32 to index
      %get3A_182 = arith.constant 16 : index
      %get3A_183 = tpu.vector_load %arg18[%get3A_181, %get3A_182] {strides = array<i32>} : memref<225x64xf32, #tpu.memory_space<vmem>>, vector<16xf32>,
      %add3A_184 = arith.constant 3600 : i32
      %add3A_185 = arith.addi %add3A_184, %scan3A_174 : i32
      %add3A_186 = vector.broadcast %add3A_185 : i32 to vector<16xi32>
      %add3A_187 = arith.addi %mul3A_123, %add3A_186 : vector<16xi32>
      tpu.vector_store_idx %arg17[%add3A_187], %get3A_183 : memref<14400xf32, #tpu.memory_space<vmem>>[vector<16xi32>], vector<16xf32>,
      %get3A_188 = arith.index_cast %scan3A_174 : i32 to index
      %get3A_189 = arith.constant 32 : index
      %get3A_190 = tpu.vector_load %arg18[%get3A_188, %get3A_189] {strides = array<i32>} : memref<225x64xf32, #tpu.memory_space<vmem>>, vector<16xf32>,
      %add3A_191 = arith.constant 7200 : i32
      %add3A_192 = arith.addi %add3A_191, %scan3A_174 : i32
      %add3A_193 = vector.broadcast %add3A_192 : i32 to vector<16xi32>
      %add3A_194 = arith.addi %mul3A_123, %add3A_193 : vector<16xi32>
      tpu.vector_store_idx %arg17[%add3A_194], %get3A_190 : memref<14400xf32, #tpu.memory_space<vmem>>[vector<16xi32>], vector<16xf32>,
      %get3A_195 = arith.index_cast %scan3A_174 : i32 to index
      %get3A_196 = arith.constant 48 : index
      %get3A_197 = tpu.vector_load %arg18[%get3A_195, %get3A_196] {strides = array<i32>} : memref<225x64xf32, #tpu.memory_space<vmem>>, vector<16xf32>,
      %add3A_198 = arith.constant 10800 : i32
      %add3A_199 = arith.addi %add3A_198, %scan3A_174 : i32
      %add3A_200 = vector.broadcast %add3A_199 : i32 to vector<16xi32>
      %add3A_201 = arith.addi %mul3A_123, %add3A_200 : vector<16xi32>
      tpu.vector_store_idx %arg17[%add3A_201], %get3A_197 : memref<14400xf32, #tpu.memory_space<vmem>>[vector<16xi32>], vector<16xf32>,
    }
    %scan3A_167 = arith.constant 225 : i32
    %scan3A_168 = arith.constant 0 : i32
    %scan3A_169 = arith.constant 0 : i32
    %scan3A_170 = arith.constant 32 : i32
    %scan3A_171 = arith.addi %scan3A_169, %scan3A_170 : i32
    %scan3A_172 = arith.constant 1 : i32
    scf.for %scan3A_174 = %scan3A_169 to %scan3A_171 step %scan3A_172  : i32 {
      %mul3A_175 = arith.constant 32 : i32
      %mul3A_176 = arith.muli %add3A, %mul3A_175 : i32
      %add3A_177 = arith.addi %mul3A_176, %scan3A_174 : i32
      %mul3A_178 = arith.constant 904 : i32
      %mul3A_179 = arith.muli %add3A_177, %mul3A_178 : i32
      "tpu.region"() ({
        %run_scoped3A = tpu.sem_alloc : memref<!tpu.dma_semaphore, #tpu.memory_space<semaphore_mem>>
        %dma_start3A_300 = tpu.memref_slice %arg2[%mul3A_179] : memref<925696xi32, #tpu.memory_space<hbm>> -> memref<904xi32, #tpu.memory_space<hbm>>
        %dma_start3A_301 = tpu.memref_slice %arg2[%mul3A_179] : memref<925696xi32, #tpu.memory_space<hbm>> -> memref<904xi32, #tpu.memory_space<hbm>>
        tpu.enqueue_dma source(%dma_start3A_301 : memref<904xi32, #tpu.memory_space<hbm>>) target(%arg6 : memref<904xi32, #tpu.memory_space<vmem>>) target_semaphore(%run_scoped3A : memref<!tpu.dma_semaphore, #tpu.memory_space<semaphore_mem>>)
        %dma_wait3A_302 = tpu.memref_slice %arg2[%mul3A_179] : memref<925696xi32, #tpu.memory_space<hbm>> -> memref<904xi32, #tpu.memory_space<hbm>>
        %dma_wait3A_303 = tpu.memref_slice %arg2[%mul3A_179] : memref<925696xi32, #tpu.memory_space<hbm>> -> memref<904xi32, #tpu.memory_space<hbm>>
        tpu.wait_dma2 semaphore(%run_scoped3A : memref<!tpu.dma_semaphore, #tpu.memory_space<semaphore_mem>>) src(%dma_wait3A_303 : memref<904xi32, #tpu.memory_space<hbm>>) dst(%arg6 : memref<904xi32, #tpu.memory_space<vmem>>)
        tpu.yield
      }) : () -> ()
      %broadcast_in_dim3A_180 = arith.constant 0 : i32
      %broadcast_in_dim3A_181 = vector.broadcast %broadcast_in_dim3A_180 : i32 to vector<16xi32>
      %scan3A_182 = arith.constant 0 : i32
      %scan3A_183 = arith.constant 14 : i32
      %scan3A_184 = arith.addi %scan3A_182, %scan3A_183 : i32
      %scan3A_185 = arith.constant 1 : i32
      %scan3A_186 = scf.for %scan3A_300 = %scan3A_182 to %scan3A_184 step %scan3A_185 iter_args(%scan3A_301 = %broadcast_in_dim3A_181) -> (vector<16xi32>)  : i32 {
        %mul3A_302 = arith.constant 16 : i32
        %mul3A_303 = arith.muli %scan3A_300, %mul3A_302 : i32
        %add3A_304 = arith.constant 452 : i32
        %add3A_305 = arith.addi %add3A_304, %mul3A_303 : i32
        %get3A_306 = arith.index_cast %add3A_305 : i32 to index
        %get3A_307 = tpu.vector_load %arg6[%get3A_306] {strides = array<i32>} : memref<904xi32, #tpu.memory_space<vmem>>, vector<16xi32>,
        %add3A_308 = arith.constant 678 : i32
        %add3A_309 = arith.addi %add3A_308, %mul3A_303 : i32
        %get3A_310 = arith.index_cast %add3A_309 : i32 to index
        %get3A_311 = tpu.vector_load %arg6[%get3A_310] {strides = array<i32>} : memref<904xi32, #tpu.memory_space<vmem>>, vector<16xi32>,
        %add3A_312 = arith.addi %get3A_307, %get3A_311 : vector<16xi32>
        %eq3A_313 = arith.constant 0 : i32
        %eq3A_314 = vector.broadcast %eq3A_313 : i32 to vector<16xi32>
        %eq3A_315 = arith.cmpi eq, %add3A_312, %eq3A_314 : vector<16xi32>
        %jit3A_316 = arith.constant 1 : i32
        %jit3A_317 = arith.constant 0 : i32
        %broadcast_in_dim3A_318 = vector.broadcast %jit3A_316 : i32 to vector<16xi32>
        %broadcast_in_dim3A_319 = vector.broadcast %jit3A_317 : i32 to vector<16xi32>
        %select_n3A_320 = arith.select %eq3A_315, %broadcast_in_dim3A_318, %broadcast_in_dim3A_319 : vector<16xi1>, vector<16xi32>
        %broadcast_in_dim3A_321 = arith.constant true
        %broadcast_in_dim3A_322 = vector.broadcast %broadcast_in_dim3A_321 : i1 to vector<16xi1>
        %masked_cumsum3A_323 = tpu.scan <sum>, %select_n3A_320 masked %broadcast_in_dim3A_322 : vector<16xi32>, vector<16xi1> -> vector<16xi32>
        %reduce_max3A_324 = arith.constant true
        %reduce_max3A_325 = vector.broadcast %reduce_max3A_324 : i1 to vector<16xi1>
        %reduce_max3A_326 = arith.constant -2147483648 : i32
        %reduce_max3A_327 = vector.broadcast %reduce_max3A_326 : i32 to vector<16xi32>
        %reduce_max3A_328 = arith.xori %masked_cumsum3A_323, %reduce_max3A_327 : vector<16xi32>
        %reduce_max3A_329 = tpu.scan <max>, %reduce_max3A_328 masked %reduce_max3A_325 : vector<16xi32>, vector<16xi1> -> vector<16xi32>
        %reduce_max3A_330 = arith.xori %reduce_max3A_329, %reduce_max3A_327 : vector<16xi32>
        %reduce_max3A_331 = vector.extract %reduce_max3A_330[15] : i32 from vector<16xi32>
        %add3A_332 = arith.addi %scan3A_301, %masked_cumsum3A_323 : vector<16xi32>
        %sub3A_333 = arith.constant 1 : i32
        %sub3A_334 = vector.broadcast %sub3A_333 : i32 to vector<16xi32>
        %sub3A_335 = arith.subi %add3A_332, %sub3A_334 : vector<16xi32>
        %get3A_336 = arith.index_cast %mul3A_303 : i32 to index
        %get3A_337 = tpu.vector_load %arg6[%get3A_336] {strides = array<i32>} : memref<904xi32, #tpu.memory_space<vmem>>, vector<16xi32>,
        %add3A_338 = arith.constant 226 : i32
        %add3A_339 = arith.addi %add3A_338, %mul3A_303 : i32
        %get3A_340 = arith.index_cast %add3A_339 : i32 to index
        %get3A_341 = tpu.vector_load %arg6[%get3A_340] {strides = array<i32>} : memref<904xi32, #tpu.memory_space<vmem>>, vector<16xi32>,
        %add3A_342 = arith.constant 2381 : i32
        %add3A_343 = vector.broadcast %add3A_342 : i32 to vector<16xi32>
        %add3A_344 = arith.addi %get3A_341, %add3A_343 : vector<16xi32>
        %add3A_345 = vector.broadcast %mul3A_303 : i32 to vector<16xi32>
        %add3A_346 = arith.addi %iota3A, %add3A_345 : vector<16xi32>
        %mul3A_347 = arith.constant 4762 : i32
        %mul3A_348 = vector.broadcast %mul3A_347 : i32 to vector<16xi32>
        %mul3A_349 = arith.muli %add3A_346, %mul3A_348 : vector<16xi32>
        tpu.vector_store_idx %arg7[%sub3A_335], %get3A_337 masked %eq3A_315 : memref<240xi32, #tpu.memory_space<vmem>>[vector<16xi32>], vector<16xi32>, vector<16xi1>
        tpu.vector_store_idx %arg8[%sub3A_335], %add3A_344 masked %eq3A_315 : memref<240xi32, #tpu.memory_space<vmem>>[vector<16xi32>], vector<16xi32>, vector<16xi1>
        %add3A_350 = arith.addi %get3A_337, %mul3A_349 : vector<16xi32>
        tpu.vector_store_idx %arg9[%sub3A_335], %add3A_350 masked %eq3A_315 : memref<240xi32, #tpu.memory_space<vmem>>[vector<16xi32>], vector<16xi32>, vector<16xi1>
        %add3A_351 = arith.addi %add3A_344, %mul3A_349 : vector<16xi32>
        tpu.vector_store_idx %arg10[%sub3A_335], %add3A_351 masked %eq3A_315 : memref<240xi32, #tpu.memory_space<vmem>>[vector<16xi32>], vector<16xi32>, vector<16xi1>
        tpu.vector_store_idx %arg11[%sub3A_335], %add3A_346 masked %eq3A_315 : memref<240xi32, #tpu.memory_space<vmem>>[vector<16xi32>], vector<16xi32>, vector<16xi1>
        %add3A_352 = vector.broadcast %reduce_max3A_331 : i32 to vector<16xi32>
        %add3A_353 = arith.addi %scan3A_301, %add3A_352 : vector<16xi32>
        scf.yield %add3A_353 : vector<16xi32>
      }
      %scan3A_187 = arith.constant 14 : i32
      %eq3A_188 = arith.constant 15 : i32
      %eq3A_189 = vector.broadcast %eq3A_188 : i32 to vector<16xi32>
      %eq3A_190 = arith.cmpi eq, %iota3A, %eq3A_189 : vector<16xi32>
      %get3A = arith.constant 661 : index
      %get3A_191 = tpu.vector_load %arg6[%get3A] {strides = array<i32>} : memref<904xi32, #tpu.memory_space<vmem>>, vector<16xi32>,
      %get3A_192 = arith.constant 887 : index
      %get3A_193 = tpu.vector_load %arg6[%get3A_192] {strides = array<i32>} : memref<904xi32, #tpu.memory_space<vmem>>, vector<16xi32>,
      %add3A_194 = arith.addi %get3A_191, %get3A_193 : vector<16xi32>
      %eq3A_195 = arith.constant 0 : i32
      %eq3A_196 = vector.broadcast %eq3A_195 : i32 to vector<16xi32>
      %eq3A_197 = arith.cmpi eq, %add3A_194, %eq3A_196 : vector<16xi32>
      %and3A_198 = arith.andi %eq3A_197, %eq3A_190 : vector<16xi1>
      %jit3A_199 = arith.constant 1 : i32
      %jit3A_200 = arith.constant 0 : i32
      %broadcast_in_dim3A_201 = vector.broadcast %jit3A_199 : i32 to vector<16xi32>
      %broadcast_in_dim3A_202 = vector.broadcast %jit3A_200 : i32 to vector<16xi32>
      %select_n3A_203 = arith.select %and3A_198, %broadcast_in_dim3A_201, %broadcast_in_dim3A_202 : vector<16xi1>, vector<16xi32>
      %broadcast_in_dim3A_204 = arith.constant true
      %broadcast_in_dim3A_205 = vector.broadcast %broadcast_in_dim3A_204 : i1 to vector<16xi1>
      %masked_cumsum3A = tpu.scan <sum>, %select_n3A_203 masked %broadcast_in_dim3A_205 : vector<16xi32>, vector<16xi1> -> vector<16xi32>
      %reduce_max3A = arith.constant true
      %reduce_max3A_206 = vector.broadcast %reduce_max3A : i1 to vector<16xi1>
      %reduce_max3A_207 = arith.constant -2147483648 : i32
      %reduce_max3A_208 = vector.broadcast %reduce_max3A_207 : i32 to vector<16xi32>
      %reduce_max3A_209 = arith.xori %masked_cumsum3A, %reduce_max3A_208 : vector<16xi32>
      %reduce_max3A_210 = tpu.scan <max>, %reduce_max3A_209 masked %reduce_max3A_206 : vector<16xi32>, vector<16xi1> -> vector<16xi32>
      %reduce_max3A_211 = arith.xori %reduce_max3A_210, %reduce_max3A_208 : vector<16xi32>
      %reduce_max3A_212 = vector.extract %reduce_max3A_211[15] : i32 from vector<16xi32>
      %add3A_213 = arith.addi %scan3A_186, %masked_cumsum3A : vector<16xi32>
      %sub3A = arith.constant 1 : i32
      %sub3A_214 = vector.broadcast %sub3A : i32 to vector<16xi32>
      %sub3A_215 = arith.subi %add3A_213, %sub3A_214 : vector<16xi32>
      %get3A_216 = arith.constant 209 : index
      %get3A_217 = tpu.vector_load %arg6[%get3A_216] {strides = array<i32>} : memref<904xi32, #tpu.memory_space<vmem>>, vector<16xi32>,
      %get3A_218 = arith.constant 435 : index
      %get3A_219 = tpu.vector_load %arg6[%get3A_218] {strides = array<i32>} : memref<904xi32, #tpu.memory_space<vmem>>, vector<16xi32>,
      %add3A_220 = arith.constant 2381 : i32
      %add3A_221 = vector.broadcast %add3A_220 : i32 to vector<16xi32>
      %add3A_222 = arith.addi %get3A_219, %add3A_221 : vector<16xi32>
      %add3A_223 = arith.constant 209 : i32
      %add3A_224 = vector.broadcast %add3A_223 : i32 to vector<16xi32>
      %add3A_225 = arith.addi %iota3A, %add3A_224 : vector<16xi32>
      %mul3A_226 = arith.constant 4762 : i32
      %mul3A_227 = vector.broadcast %mul3A_226 : i32 to vector<16xi32>
      %mul3A_228 = arith.muli %add3A_225, %mul3A_227 : vector<16xi32>
      tpu.vector_store_idx %arg7[%sub3A_215], %get3A_217 masked %and3A_198 : memref<240xi32, #tpu.memory_space<vmem>>[vector<16xi32>], vector<16xi32>, vector<16xi1>
      tpu.vector_store_idx %arg8[%sub3A_215], %add3A_222 masked %and3A_198 : memref<240xi32, #tpu.memory_space<vmem>>[vector<16xi32>], vector<16xi32>, vector<16xi1>
      %add3A_229 = arith.addi %get3A_217, %mul3A_228 : vector<16xi32>
      tpu.vector_store_idx %arg9[%sub3A_215], %add3A_229 masked %and3A_198 : memref<240xi32, #tpu.memory_space<vmem>>[vector<16xi32>], vector<16xi32>, vector<16xi1>
      %add3A_230 = arith.addi %add3A_222, %mul3A_228 : vector<16xi32>
      tpu.vector_store_idx %arg10[%sub3A_215], %add3A_230 masked %and3A_198 : memref<240xi32, #tpu.memory_space<vmem>>[vector<16xi32>], vector<16xi32>, vector<16xi1>
      tpu.vector_store_idx %arg11[%sub3A_215], %add3A_225 masked %and3A_198 : memref<240xi32, #tpu.memory_space<vmem>>[vector<16xi32>], vector<16xi32>, vector<16xi1>
      %add3A_231 = vector.broadcast %reduce_max3A_212 : i32 to vector<16xi32>
      %add3A_232 = arith.addi %scan3A_186, %add3A_231 : vector<16xi32>
      %reduce_max3A_233 = arith.constant true
      %reduce_max3A_234 = vector.broadcast %reduce_max3A_233 : i1 to vector<16xi1>
      %reduce_max3A_235 = arith.constant -2147483648 : i32
      %reduce_max3A_236 = vector.broadcast %reduce_max3A_235 : i32 to vector<16xi32>
      %reduce_max3A_237 = arith.xori %add3A_232, %reduce_max3A_236 : vector<16xi32>
      %reduce_max3A_238 = tpu.scan <max>, %reduce_max3A_237 masked %reduce_max3A_234 : vector<16xi32>, vector<16xi1> -> vector<16xi32>
      %reduce_max3A_239 = arith.xori %reduce_max3A_238, %reduce_max3A_236 : vector<16xi32>
      %reduce_max3A_240 = vector.extract %reduce_max3A_239[15] : i32 from vector<16xi32>
      %add3A_241 = arith.constant 7 : i32
      %add3A_242 = arith.addi %reduce_max3A_240, %add3A_241 : i32
      %jit3A_243 = arith.constant 8 : i32
      %div3A = arith.divsi %add3A_242, %jit3A_243 : i32
      %sign3A = arith.constant 0 : i32
      %sign3A_244 = arith.cmpi sgt, %add3A_242, %sign3A : i32
      %sign3A_245 = arith.extui %sign3A_244 : i1 to i32
      %sign3A_246 = arith.constant 0 : i32
      %sign3A_247 = arith.cmpi slt, %add3A_242, %sign3A_246 : i32
      %sign3A_248 = arith.extui %sign3A_247 : i1 to i32
      %sign3A_249 = arith.subi %sign3A_245, %sign3A_248 : i32
      %sign3A_250 = arith.constant 0 : i32
      %sign3A_251 = arith.cmpi sgt, %jit3A_243, %sign3A_250 : i32
      %sign3A_252 = arith.extui %sign3A_251 : i1 to i32
      %sign3A_253 = arith.constant 0 : i32
      %sign3A_254 = arith.cmpi slt, %jit3A_243, %sign3A_253 : i32
      %sign3A_255 = arith.extui %sign3A_254 : i1 to i32
      %sign3A_256 = arith.subi %sign3A_252, %sign3A_255 : i32
      %ne3A_257 = arith.cmpi ne, %sign3A_249, %sign3A_256 : i32
      %rem3A_258 = arith.remsi %add3A_242, %jit3A_243 : i32
      %ne3A_259 = arith.constant 0 : i32
      %ne3A_260 = arith.cmpi ne, %rem3A_258, %ne3A_259 : i32
      %and3A_261 = arith.andi %ne3A_257, %ne3A_260 : i1
      %sub3A_262 = arith.constant 1 : i32
      %sub3A_263 = arith.subi %div3A, %sub3A_262 : i32
      %select_n3A_264 = arith.select %and3A_261, %sub3A_263, %div3A : i32
      %while3A = arith.constant 0 : i32
      %while3A_265 = arith.constant 0 : i32
      %while3A_266 = arith.subi %select_n3A_264, %while3A_265 : i32
      %while3A_267 = arith.addi %while3A_265, %while3A_266 : i32
      %while3A_268 = arith.constant 1 : i32
      %while3A_269 = arith.divsi %while3A_266, %while3A_268 : i32
      %while3A_270 = arith.muli %while3A_269, %while3A_268 : i32
      %while3A_271 = arith.addi %while3A_265, %while3A_270 : i32
      %while3A_272 = arith.constant 1 : i32
      scf.for %while3A_300 = %while3A_265 to %while3A_271 step %while3A_272  : i32 {
        %mul3A_301 = arith.constant 8 : i32
        %mul3A_302 = arith.muli %while3A_300, %mul3A_301 : i32
        %multiple_of3A = tpu.assume_multiple %mul3A_302, 8 : i32
        %dma_start3A_303 = arith.constant 0 : i32
        %dma_start3A_304 = tpu.memref_slice %arg12[%multiple_of3A, %dma_start3A_303] : memref<240x64xf32, #tpu.memory_space<vmem>> -> memref<8x64xf32, #tpu.memory_space<vmem>>
        %dma_start3A_305 = tpu.memref_slice %arg7[%multiple_of3A] : memref<240xi32, #tpu.memory_space<vmem>> -> memref<8xi32, #tpu.memory_space<vmem>>
        %dma_start3A_306 = arith.constant 0 : i32
        %dma_start3A_307 = arith.constant 0 : i32
        %dma_start3A_308 = tpu.memref_slice %arg3[%dma_start3A_306, %dma_start3A_307] : memref<4762x64xf32, #tpu.memory_space<hbm>> -> memref<4762x64xf32, #tpu.memory_space<hbm>>
        tpu.enqueue_indirect_dma source(%dma_start3A_308 : memref<4762x64xf32, #tpu.memory_space<hbm>>) target(%dma_start3A_304 : memref<8x64xf32, #tpu.memory_space<vmem>>) offsets(%dma_start3A_305 : memref<8xi32, #tpu.memory_space<vmem>>) semaphore(%arg25 : memref<!tpu.dma_semaphore, #tpu.memory_space<semaphore_mem>>)
        %dma_start3A_309 = arith.constant 0 : i32
        %dma_start3A_310 = tpu.memref_slice %arg13[%multiple_of3A, %dma_start3A_309] : memref<240x64xf32, #tpu.memory_space<vmem>> -> memref<8x64xf32, #tpu.memory_space<vmem>>
        %dma_start3A_311 = tpu.memref_slice %arg8[%multiple_of3A] : memref<240xi32, #tpu.memory_space<vmem>> -> memref<8xi32, #tpu.memory_space<vmem>>
        %dma_start3A_312 = arith.constant 0 : i32
        %dma_start3A_313 = arith.constant 0 : i32
        %dma_start3A_314 = tpu.memref_slice %arg3[%dma_start3A_312, %dma_start3A_313] : memref<4762x64xf32, #tpu.memory_space<hbm>> -> memref<4762x64xf32, #tpu.memory_space<hbm>>
        tpu.enqueue_indirect_dma source(%dma_start3A_314 : memref<4762x64xf32, #tpu.memory_space<hbm>>) target(%dma_start3A_310 : memref<8x64xf32, #tpu.memory_space<vmem>>) offsets(%dma_start3A_311 : memref<8xi32, #tpu.memory_space<vmem>>) semaphore(%arg25 : memref<!tpu.dma_semaphore, #tpu.memory_space<semaphore_mem>>)
        %dma_start3A_315 = arith.constant 0 : i32
        %dma_start3A_316 = tpu.memref_slice %arg14[%multiple_of3A, %dma_start3A_315] : memref<240x64xf32, #tpu.memory_space<vmem>> -> memref<8x64xf32, #tpu.memory_space<vmem>>
        %dma_start3A_317 = tpu.memref_slice %arg9[%multiple_of3A] : memref<240xi32, #tpu.memory_space<vmem>> -> memref<8xi32, #tpu.memory_space<vmem>>
        %dma_start3A_318 = arith.constant 0 : i32
        %dma_start3A_319 = arith.constant 0 : i32
        %dma_start3A_320 = tpu.memref_slice %arg4[%dma_start3A_318, %dma_start3A_319] : memref<1071450x64xf32, #tpu.memory_space<hbm>> -> memref<1071450x64xf32, #tpu.memory_space<hbm>>
        tpu.enqueue_indirect_dma source(%dma_start3A_320 : memref<1071450x64xf32, #tpu.memory_space<hbm>>) target(%dma_start3A_316 : memref<8x64xf32, #tpu.memory_space<vmem>>) offsets(%dma_start3A_317 : memref<8xi32, #tpu.memory_space<vmem>>) semaphore(%arg25 : memref<!tpu.dma_semaphore, #tpu.memory_space<semaphore_mem>>)
        %dma_start3A_321 = arith.constant 0 : i32
        %dma_start3A_322 = tpu.memref_slice %arg15[%multiple_of3A, %dma_start3A_321] : memref<240x64xf32, #tpu.memory_space<vmem>> -> memref<8x64xf32, #tpu.memory_space<vmem>>
        %dma_start3A_323 = tpu.memref_slice %arg10[%multiple_of3A] : memref<240xi32, #tpu.memory_space<vmem>> -> memref<8xi32, #tpu.memory_space<vmem>>
        %dma_start3A_324 = arith.constant 0 : i32
        %dma_start3A_325 = arith.constant 0 : i32
        %dma_start3A_326 = tpu.memref_slice %arg4[%dma_start3A_324, %dma_start3A_325] : memref<1071450x64xf32, #tpu.memory_space<hbm>> -> memref<1071450x64xf32, #tpu.memory_space<hbm>>
        tpu.enqueue_indirect_dma source(%dma_start3A_326 : memref<1071450x64xf32, #tpu.memory_space<hbm>>) target(%dma_start3A_322 : memref<8x64xf32, #tpu.memory_space<vmem>>) offsets(%dma_start3A_323 : memref<8xi32, #tpu.memory_space<vmem>>) semaphore(%arg25 : memref<!tpu.dma_semaphore, #tpu.memory_space<semaphore_mem>>)
      }
      %while3A_273 = arith.constant 1 : i32
      scf.for %while3A_300 = %while3A_271 to %while3A_267 step %while3A_273  : i32 {
        %mul3A_301 = arith.constant 8 : i32
        %mul3A_302 = arith.muli %while3A_300, %mul3A_301 : i32
        %multiple_of3A = tpu.assume_multiple %mul3A_302, 8 : i32
        %dma_start3A_303 = arith.constant 0 : i32
        %dma_start3A_304 = tpu.memref_slice %arg12[%multiple_of3A, %dma_start3A_303] : memref<240x64xf32, #tpu.memory_space<vmem>> -> memref<8x64xf32, #tpu.memory_space<vmem>>
        %dma_start3A_305 = tpu.memref_slice %arg7[%multiple_of3A] : memref<240xi32, #tpu.memory_space<vmem>> -> memref<8xi32, #tpu.memory_space<vmem>>
        %dma_start3A_306 = arith.constant 0 : i32
        %dma_start3A_307 = arith.constant 0 : i32
        %dma_start3A_308 = tpu.memref_slice %arg3[%dma_start3A_306, %dma_start3A_307] : memref<4762x64xf32, #tpu.memory_space<hbm>> -> memref<4762x64xf32, #tpu.memory_space<hbm>>
        tpu.enqueue_indirect_dma source(%dma_start3A_308 : memref<4762x64xf32, #tpu.memory_space<hbm>>) target(%dma_start3A_304 : memref<8x64xf32, #tpu.memory_space<vmem>>) offsets(%dma_start3A_305 : memref<8xi32, #tpu.memory_space<vmem>>) semaphore(%arg25 : memref<!tpu.dma_semaphore, #tpu.memory_space<semaphore_mem>>)
        %dma_start3A_309 = arith.constant 0 : i32
        %dma_start3A_310 = tpu.memref_slice %arg13[%multiple_of3A, %dma_start3A_309] : memref<240x64xf32, #tpu.memory_space<vmem>> -> memref<8x64xf32, #tpu.memory_space<vmem>>
        %dma_start3A_311 = tpu.memref_slice %arg8[%multiple_of3A] : memref<240xi32, #tpu.memory_space<vmem>> -> memref<8xi32, #tpu.memory_space<vmem>>
        %dma_start3A_312 = arith.constant 0 : i32
        %dma_start3A_313 = arith.constant 0 : i32
        %dma_start3A_314 = tpu.memref_slice %arg3[%dma_start3A_312, %dma_start3A_313] : memref<4762x64xf32, #tpu.memory_space<hbm>> -> memref<4762x64xf32, #tpu.memory_space<hbm>>
        tpu.enqueue_indirect_dma source(%dma_start3A_314 : memref<4762x64xf32, #tpu.memory_space<hbm>>) target(%dma_start3A_310 : memref<8x64xf32, #tpu.memory_space<vmem>>) offsets(%dma_start3A_311 : memref<8xi32, #tpu.memory_space<vmem>>) semaphore(%arg25 : memref<!tpu.dma_semaphore, #tpu.memory_space<semaphore_mem>>)
        %dma_start3A_315 = arith.constant 0 : i32
        %dma_start3A_316 = tpu.memref_slice %arg14[%multiple_of3A, %dma_start3A_315] : memref<240x64xf32, #tpu.memory_space<vmem>> -> memref<8x64xf32, #tpu.memory_space<vmem>>
        %dma_start3A_317 = tpu.memref_slice %arg9[%multiple_of3A] : memref<240xi32, #tpu.memory_space<vmem>> -> memref<8xi32, #tpu.memory_space<vmem>>
        %dma_start3A_318 = arith.constant 0 : i32
        %dma_start3A_319 = arith.constant 0 : i32
        %dma_start3A_320 = tpu.memref_slice %arg4[%dma_start3A_318, %dma_start3A_319] : memref<1071450x64xf32, #tpu.memory_space<hbm>> -> memref<1071450x64xf32, #tpu.memory_space<hbm>>
        tpu.enqueue_indirect_dma source(%dma_start3A_320 : memref<1071450x64xf32, #tpu.memory_space<hbm>>) target(%dma_start3A_316 : memref<8x64xf32, #tpu.memory_space<vmem>>) offsets(%dma_start3A_317 : memref<8xi32, #tpu.memory_space<vmem>>) semaphore(%arg25 : memref<!tpu.dma_semaphore, #tpu.memory_space<semaphore_mem>>)
        %dma_start3A_321 = arith.constant 0 : i32
        %dma_start3A_322 = tpu.memref_slice %arg15[%multiple_of3A, %dma_start3A_321] : memref<240x64xf32, #tpu.memory_space<vmem>> -> memref<8x64xf32, #tpu.memory_space<vmem>>
        %dma_start3A_323 = tpu.memref_slice %arg10[%multiple_of3A] : memref<240xi32, #tpu.memory_space<vmem>> -> memref<8xi32, #tpu.memory_space<vmem>>
        %dma_start3A_324 = arith.constant 0 : i32
        %dma_start3A_325 = arith.constant 0 : i32
        %dma_start3A_326 = tpu.memref_slice %arg4[%dma_start3A_324, %dma_start3A_325] : memref<1071450x64xf32, #tpu.memory_space<hbm>> -> memref<1071450x64xf32, #tpu.memory_space<hbm>>
        tpu.enqueue_indirect_dma source(%dma_start3A_326 : memref<1071450x64xf32, #tpu.memory_space<hbm>>) target(%dma_start3A_322 : memref<8x64xf32, #tpu.memory_space<vmem>>) offsets(%dma_start3A_323 : memref<8xi32, #tpu.memory_space<vmem>>) semaphore(%arg25 : memref<!tpu.dma_semaphore, #tpu.memory_space<semaphore_mem>>)
      }
      %scan3A_274 = arith.constant 0 : i32
      %scan3A_275 = arith.constant 0 : i32
      %scan3A_276 = arith.constant 225 : i32
      %scan3A_277 = arith.addi %scan3A_275, %scan3A_276 : i32
      %scan3A_278 = arith.constant 1 : i32
      scf.for %scan3A_300 = %scan3A_275 to %scan3A_277 step %scan3A_278  : i32 {
        %mul3A_301 = arith.constant 64 : i32
        %mul3A_302 = arith.muli %scan3A_300, %mul3A_301 : i32
        %add3A_303 = arith.constant 0 : i32
        %add3A_304 = arith.addi %mul3A_302, %add3A_303 : i32
        %get3A_305 = arith.index_cast %add3A_304 : i32 to index
        %get3A_306 = tpu.vector_load %arg17[%get3A_305] {strides = array<i32>} : memref<14400xf32, #tpu.memory_space<vmem>>, vector<16xf32>,
        %swap3A_307 = arith.index_cast %add3A_304 : i32 to index
        %swap3A_308 = tpu.vector_load %arg16[%swap3A_307] {strides = array<i32>} : memref<14400xf32, #tpu.memory_space<vmem>>, vector<16xf32>,
        tpu.vector_store %arg16[%swap3A_307], %get3A_306 {strides = array<i32>} : memref<14400xf32, #tpu.memory_space<vmem>>, vector<16xf32>,
        %mul3A_309 = arith.constant 64 : i32
        %mul3A_310 = arith.muli %scan3A_300, %mul3A_309 : i32
        %add3A_311 = arith.constant 16 : i32
        %add3A_312 = arith.addi %mul3A_310, %add3A_311 : i32
        %get3A_313 = arith.index_cast %add3A_312 : i32 to index
        %get3A_314 = tpu.vector_load %arg17[%get3A_313] {strides = array<i32>} : memref<14400xf32, #tpu.memory_space<vmem>>, vector<16xf32>,
        %swap3A_315 = arith.index_cast %add3A_312 : i32 to index
        %swap3A_316 = tpu.vector_load %arg16[%swap3A_315] {strides = array<i32>} : memref<14400xf32, #tpu.memory_space<vmem>>, vector<16xf32>,
        tpu.vector_store %arg16[%swap3A_315], %get3A_314 {strides = array<i32>} : memref<14400xf32, #tpu.memory_space<vmem>>, vector<16xf32>,
        %mul3A_317 = arith.constant 64 : i32
        %mul3A_318 = arith.muli %scan3A_300, %mul3A_317 : i32
        %add3A_319 = arith.constant 32 : i32
        %add3A_320 = arith.addi %mul3A_318, %add3A_319 : i32
        %get3A_321 = arith.index_cast %add3A_320 : i32 to index
        %get3A_322 = tpu.vector_load %arg17[%get3A_321] {strides = array<i32>} : memref<14400xf32, #tpu.memory_space<vmem>>, vector<16xf32>,
        %swap3A_323 = arith.index_cast %add3A_320 : i32 to index
        %swap3A_324 = tpu.vector_load %arg16[%swap3A_323] {strides = array<i32>} : memref<14400xf32, #tpu.memory_space<vmem>>, vector<16xf32>,
        tpu.vector_store %arg16[%swap3A_323], %get3A_322 {strides = array<i32>} : memref<14400xf32, #tpu.memory_space<vmem>>, vector<16xf32>,
        %mul3A_325 = arith.constant 64 : i32
        %mul3A_326 = arith.muli %scan3A_300, %mul3A_325 : i32
        %add3A_327 = arith.constant 48 : i32
        %add3A_328 = arith.addi %mul3A_326, %add3A_327 : i32
        %get3A_329 = arith.index_cast %add3A_328 : i32 to index
        %get3A_330 = tpu.vector_load %arg17[%get3A_329] {strides = array<i32>} : memref<14400xf32, #tpu.memory_space<vmem>>, vector<16xf32>,
        %swap3A_331 = arith.index_cast %add3A_328 : i32 to index
        %swap3A_332 = tpu.vector_load %arg16[%swap3A_331] {strides = array<i32>} : memref<14400xf32, #tpu.memory_space<vmem>>, vector<16xf32>,
        tpu.vector_store %arg16[%swap3A_331], %get3A_330 {strides = array<i32>} : memref<14400xf32, #tpu.memory_space<vmem>>, vector<16xf32>,
      }
      %scan3A_279 = arith.constant 225 : i32
      %while3A_280 = arith.constant 0 : i32
      %while3A_281 = arith.constant 0 : i32
      %while3A_282 = arith.subi %select_n3A_264, %while3A_281 : i32
      %while3A_283 = arith.addi %while3A_281, %while3A_282 : i32
      %while3A_284 = arith.constant 1 : i32
      %while3A_285 = arith.divsi %while3A_282, %while3A_284 : i32
      %while3A_286 = arith.muli %while3A_285, %while3A_284 : i32
      %while3A_287 = arith.addi %while3A_281, %while3A_286 : i32
      %while3A_288 = arith.constant 1 : i32
      scf.for %while3A_300 = %while3A_281 to %while3A_287 step %while3A_288  : i32 {
        %mul3A_301 = arith.constant 8 : i32
        %mul3A_302 = arith.muli %while3A_300, %mul3A_301 : i32
        %multiple_of3A = tpu.assume_multiple %mul3A_302, 8 : i32
        %dma_wait3A_303 = arith.constant 0 : i32
        %dma_wait3A_304 = tpu.memref_slice %arg12[%multiple_of3A, %dma_wait3A_303] : memref<240x64xf32, #tpu.memory_space<vmem>> -> memref<8x64xf32, #tpu.memory_space<vmem>>
        %dma_wait3A_305 = tpu.memref_slice %arg7[%multiple_of3A] : memref<240xi32, #tpu.memory_space<vmem>> -> memref<8xi32, #tpu.memory_space<vmem>>
        %dma_wait3A_306 = arith.constant 0 : i32
        %dma_wait3A_307 = arith.constant 0 : i32
        %dma_wait3A_308 = tpu.memref_slice %arg3[%dma_wait3A_306, %dma_wait3A_307] : memref<4762x64xf32, #tpu.memory_space<hbm>> -> memref<4762x64xf32, #tpu.memory_space<hbm>>
        tpu.wait_indirect_dma semaphore(%arg25 : memref<!tpu.dma_semaphore, #tpu.memory_space<semaphore_mem>>) src(%dma_wait3A_308 : memref<4762x64xf32, #tpu.memory_space<hbm>>) dst(%dma_wait3A_304 : memref<8x64xf32, #tpu.memory_space<vmem>>)
        %dma_wait3A_309 = arith.constant 0 : i32
        %dma_wait3A_310 = tpu.memref_slice %arg13[%multiple_of3A, %dma_wait3A_309] : memref<240x64xf32, #tpu.memory_space<vmem>> -> memref<8x64xf32, #tpu.memory_space<vmem>>
        %dma_wait3A_311 = tpu.memref_slice %arg8[%multiple_of3A] : memref<240xi32, #tpu.memory_space<vmem>> -> memref<8xi32, #tpu.memory_space<vmem>>
        %dma_wait3A_312 = arith.constant 0 : i32
        %dma_wait3A_313 = arith.constant 0 : i32
        %dma_wait3A_314 = tpu.memref_slice %arg3[%dma_wait3A_312, %dma_wait3A_313] : memref<4762x64xf32, #tpu.memory_space<hbm>> -> memref<4762x64xf32, #tpu.memory_space<hbm>>
        tpu.wait_indirect_dma semaphore(%arg25 : memref<!tpu.dma_semaphore, #tpu.memory_space<semaphore_mem>>) src(%dma_wait3A_314 : memref<4762x64xf32, #tpu.memory_space<hbm>>) dst(%dma_wait3A_310 : memref<8x64xf32, #tpu.memory_space<vmem>>)
        %dma_wait3A_315 = arith.constant 0 : i32
        %dma_wait3A_316 = tpu.memref_slice %arg14[%multiple_of3A, %dma_wait3A_315] : memref<240x64xf32, #tpu.memory_space<vmem>> -> memref<8x64xf32, #tpu.memory_space<vmem>>
        %dma_wait3A_317 = tpu.memref_slice %arg9[%multiple_of3A] : memref<240xi32, #tpu.memory_space<vmem>> -> memref<8xi32, #tpu.memory_space<vmem>>
        %dma_wait3A_318 = arith.constant 0 : i32
        %dma_wait3A_319 = arith.constant 0 : i32
        %dma_wait3A_320 = tpu.memref_slice %arg4[%dma_wait3A_318, %dma_wait3A_319] : memref<1071450x64xf32, #tpu.memory_space<hbm>> -> memref<1071450x64xf32, #tpu.memory_space<hbm>>
        tpu.wait_indirect_dma semaphore(%arg25 : memref<!tpu.dma_semaphore, #tpu.memory_space<semaphore_mem>>) src(%dma_wait3A_320 : memref<1071450x64xf32, #tpu.memory_space<hbm>>) dst(%dma_wait3A_316 : memref<8x64xf32, #tpu.memory_space<vmem>>)
        %dma_wait3A_321 = arith.constant 0 : i32
        %dma_wait3A_322 = tpu.memref_slice %arg15[%multiple_of3A, %dma_wait3A_321] : memref<240x64xf32, #tpu.memory_space<vmem>> -> memref<8x64xf32, #tpu.memory_space<vmem>>
        %dma_wait3A_323 = tpu.memref_slice %arg10[%multiple_of3A] : memref<240xi32, #tpu.memory_space<vmem>> -> memref<8xi32, #tpu.memory_space<vmem>>
        %dma_wait3A_324 = arith.constant 0 : i32
        %dma_wait3A_325 = arith.constant 0 : i32
        %dma_wait3A_326 = tpu.memref_slice %arg4[%dma_wait3A_324, %dma_wait3A_325] : memref<1071450x64xf32, #tpu.memory_space<hbm>> -> memref<1071450x64xf32, #tpu.memory_space<hbm>>
        tpu.wait_indirect_dma semaphore(%arg25 : memref<!tpu.dma_semaphore, #tpu.memory_space<semaphore_mem>>) src(%dma_wait3A_326 : memref<1071450x64xf32, #tpu.memory_space<hbm>>) dst(%dma_wait3A_322 : memref<8x64xf32, #tpu.memory_space<vmem>>)
      }
      %while3A_289 = arith.constant 1 : i32
      scf.for %while3A_300 = %while3A_287 to %while3A_283 step %while3A_289  : i32 {
        %mul3A_301 = arith.constant 8 : i32
        %mul3A_302 = arith.muli %while3A_300, %mul3A_301 : i32
        %multiple_of3A = tpu.assume_multiple %mul3A_302, 8 : i32
        %dma_wait3A_303 = arith.constant 0 : i32
        %dma_wait3A_304 = tpu.memref_slice %arg12[%multiple_of3A, %dma_wait3A_303] : memref<240x64xf32, #tpu.memory_space<vmem>> -> memref<8x64xf32, #tpu.memory_space<vmem>>
        %dma_wait3A_305 = tpu.memref_slice %arg7[%multiple_of3A] : memref<240xi32, #tpu.memory_space<vmem>> -> memref<8xi32, #tpu.memory_space<vmem>>
        %dma_wait3A_306 = arith.constant 0 : i32
        %dma_wait3A_307 = arith.constant 0 : i32
        %dma_wait3A_308 = tpu.memref_slice %arg3[%dma_wait3A_306, %dma_wait3A_307] : memref<4762x64xf32, #tpu.memory_space<hbm>> -> memref<4762x64xf32, #tpu.memory_space<hbm>>
        tpu.wait_indirect_dma semaphore(%arg25 : memref<!tpu.dma_semaphore, #tpu.memory_space<semaphore_mem>>) src(%dma_wait3A_308 : memref<4762x64xf32, #tpu.memory_space<hbm>>) dst(%dma_wait3A_304 : memref<8x64xf32, #tpu.memory_space<vmem>>)
        %dma_wait3A_309 = arith.constant 0 : i32
        %dma_wait3A_310 = tpu.memref_slice %arg13[%multiple_of3A, %dma_wait3A_309] : memref<240x64xf32, #tpu.memory_space<vmem>> -> memref<8x64xf32, #tpu.memory_space<vmem>>
        %dma_wait3A_311 = tpu.memref_slice %arg8[%multiple_of3A] : memref<240xi32, #tpu.memory_space<vmem>> -> memref<8xi32, #tpu.memory_space<vmem>>
        %dma_wait3A_312 = arith.constant 0 : i32
        %dma_wait3A_313 = arith.constant 0 : i32
        %dma_wait3A_314 = tpu.memref_slice %arg3[%dma_wait3A_312, %dma_wait3A_313] : memref<4762x64xf32, #tpu.memory_space<hbm>> -> memref<4762x64xf32, #tpu.memory_space<hbm>>
        tpu.wait_indirect_dma semaphore(%arg25 : memref<!tpu.dma_semaphore, #tpu.memory_space<semaphore_mem>>) src(%dma_wait3A_314 : memref<4762x64xf32, #tpu.memory_space<hbm>>) dst(%dma_wait3A_310 : memref<8x64xf32, #tpu.memory_space<vmem>>)
        %dma_wait3A_315 = arith.constant 0 : i32
        %dma_wait3A_316 = tpu.memref_slice %arg14[%multiple_of3A, %dma_wait3A_315] : memref<240x64xf32, #tpu.memory_space<vmem>> -> memref<8x64xf32, #tpu.memory_space<vmem>>
        %dma_wait3A_317 = tpu.memref_slice %arg9[%multiple_of3A] : memref<240xi32, #tpu.memory_space<vmem>> -> memref<8xi32, #tpu.memory_space<vmem>>
        %dma_wait3A_318 = arith.constant 0 : i32
        %dma_wait3A_319 = arith.constant 0 : i32
        %dma_wait3A_320 = tpu.memref_slice %arg4[%dma_wait3A_318, %dma_wait3A_319] : memref<1071450x64xf32, #tpu.memory_space<hbm>> -> memref<1071450x64xf32, #tpu.memory_space<hbm>>
        tpu.wait_indirect_dma semaphore(%arg25 : memref<!tpu.dma_semaphore, #tpu.memory_space<semaphore_mem>>) src(%dma_wait3A_320 : memref<1071450x64xf32, #tpu.memory_space<hbm>>) dst(%dma_wait3A_316 : memref<8x64xf32, #tpu.memory_space<vmem>>)
        %dma_wait3A_321 = arith.constant 0 : i32
        %dma_wait3A_322 = tpu.memref_slice %arg15[%multiple_of3A, %dma_wait3A_321] : memref<240x64xf32, #tpu.memory_space<vmem>> -> memref<8x64xf32, #tpu.memory_space<vmem>>
        %dma_wait3A_323 = tpu.memref_slice %arg10[%multiple_of3A] : memref<240xi32, #tpu.memory_space<vmem>> -> memref<8xi32, #tpu.memory_space<vmem>>
        %dma_wait3A_324 = arith.constant 0 : i32
        %dma_wait3A_325 = arith.constant 0 : i32
        %dma_wait3A_326 = tpu.memref_slice %arg4[%dma_wait3A_324, %dma_wait3A_325] : memref<1071450x64xf32, #tpu.memory_space<hbm>> -> memref<1071450x64xf32, #tpu.memory_space<hbm>>
        tpu.wait_indirect_dma semaphore(%arg25 : memref<!tpu.dma_semaphore, #tpu.memory_space<semaphore_mem>>) src(%dma_wait3A_326 : memref<1071450x64xf32, #tpu.memory_space<hbm>>) dst(%dma_wait3A_322 : memref<8x64xf32, #tpu.memory_space<vmem>>)
      }
      %while3A_290 = arith.constant 0 : i32
      %while3A_291 = arith.constant 0 : i32
      %while3A_292 = arith.subi %reduce_max3A_240, %while3A_291 : i32
      %while3A_293 = arith.addi %while3A_291, %while3A_292 : i32
      %while3A_294 = arith.constant 1 : i32
      %while3A_295 = arith.divsi %while3A_292, %while3A_294 : i32
      %while3A_296 = arith.muli %while3A_295, %while3A_294 : i32
      %while3A_297 = arith.addi %while3A_291, %while3A_296 : i32
      %while3A_298 = arith.constant 1 : i32
      scf.for %while3A_300 = %while3A_291 to %while3A_297 step %while3A_298  : i32 {
        %get3A_301 = arith.index_cast %while3A_300 : i32 to index
        %get3A_302 = tpu.vector_load %arg11[%get3A_301] {strides = array<i32>} : memref<240xi32, #tpu.memory_space<vmem>>, vector<16xi32>,
        %slice3A = vector.extract_strided_slice %get3A_302 {offsets = [0], sizes = [1], strides = [1]} : vector<16xi32> to vector<1xi32>
        %squeeze3A = vector.extract %slice3A[0] : i32 from vector<1xi32>
        %get3A_303 = arith.index_cast %while3A_300 : i32 to index
        %get3A_304 = arith.constant 0 : index
        %get3A_305 = tpu.vector_load %arg12[%get3A_303, %get3A_304] {strides = array<i32>} : memref<240x64xf32, #tpu.memory_space<vmem>>, vector<16xf32>,
        %get3A_306 = arith.index_cast %while3A_300 : i32 to index
        %get3A_307 = arith.constant 0 : index
        %get3A_308 = tpu.vector_load %arg13[%get3A_306, %get3A_307] {strides = array<i32>} : memref<240x64xf32, #tpu.memory_space<vmem>>, vector<16xf32>,
        %add3A_309 = arith.addf %get3A_305, %get3A_308 : vector<16xf32>
        %get3A_310 = arith.index_cast %while3A_300 : i32 to index
        %get3A_311 = arith.constant 0 : index
        %get3A_312 = tpu.vector_load %arg14[%get3A_310, %get3A_311] {strides = array<i32>} : memref<240x64xf32, #tpu.memory_space<vmem>>, vector<16xf32>,
        %add3A_313 = arith.addf %add3A_309, %get3A_312 : vector<16xf32>
        %get3A_314 = arith.index_cast %while3A_300 : i32 to index
        %get3A_315 = arith.constant 0 : index
        %get3A_316 = tpu.vector_load %arg15[%get3A_314, %get3A_315] {strides = array<i32>} : memref<240x64xf32, #tpu.memory_space<vmem>>, vector<16xf32>,
        %add3A_317 = arith.addf %add3A_313, %get3A_316 : vector<16xf32>
        %add3A_318 = arith.constant 0 : i32
        %add3A_319 = arith.addi %add3A_318, %squeeze3A : i32
        %add3A_320 = vector.broadcast %add3A_319 : i32 to vector<16xi32>
        %add3A_321 = arith.addi %mul3A_123, %add3A_320 : vector<16xi32>
        tpu.vector_store_idx %arg16[%add3A_321], %add3A_317 : memref<14400xf32, #tpu.memory_space<vmem>>[vector<16xi32>], vector<16xf32>,
        %get3A_322 = arith.index_cast %while3A_300 : i32 to index
        %get3A_323 = arith.constant 16 : index
        %get3A_324 = tpu.vector_load %arg12[%get3A_322, %get3A_323] {strides = array<i32>} : memref<240x64xf32, #tpu.memory_space<vmem>>, vector<16xf32>,
        %get3A_325 = arith.index_cast %while3A_300 : i32 to index
        %get3A_326 = arith.constant 16 : index
        %get3A_327 = tpu.vector_load %arg13[%get3A_325, %get3A_326] {strides = array<i32>} : memref<240x64xf32, #tpu.memory_space<vmem>>, vector<16xf32>,
        %add3A_328 = arith.addf %get3A_324, %get3A_327 : vector<16xf32>
        %get3A_329 = arith.index_cast %while3A_300 : i32 to index
        %get3A_330 = arith.constant 16 : index
        %get3A_331 = tpu.vector_load %arg14[%get3A_329, %get3A_330] {strides = array<i32>} : memref<240x64xf32, #tpu.memory_space<vmem>>, vector<16xf32>,
        %add3A_332 = arith.addf %add3A_328, %get3A_331 : vector<16xf32>
        %get3A_333 = arith.index_cast %while3A_300 : i32 to index
        %get3A_334 = arith.constant 16 : index
        %get3A_335 = tpu.vector_load %arg15[%get3A_333, %get3A_334] {strides = array<i32>} : memref<240x64xf32, #tpu.memory_space<vmem>>, vector<16xf32>,
        %add3A_336 = arith.addf %add3A_332, %get3A_335 : vector<16xf32>
        %add3A_337 = arith.constant 3600 : i32
        %add3A_338 = arith.addi %add3A_337, %squeeze3A : i32
        %add3A_339 = vector.broadcast %add3A_338 : i32 to vector<16xi32>
        %add3A_340 = arith.addi %mul3A_123, %add3A_339 : vector<16xi32>
        tpu.vector_store_idx %arg16[%add3A_340], %add3A_336 : memref<14400xf32, #tpu.memory_space<vmem>>[vector<16xi32>], vector<16xf32>,
        %get3A_341 = arith.index_cast %while3A_300 : i32 to index
        %get3A_342 = arith.constant 32 : index
        %get3A_343 = tpu.vector_load %arg12[%get3A_341, %get3A_342] {strides = array<i32>} : memref<240x64xf32, #tpu.memory_space<vmem>>, vector<16xf32>,
        %get3A_344 = arith.index_cast %while3A_300 : i32 to index
        %get3A_345 = arith.constant 32 : index
        %get3A_346 = tpu.vector_load %arg13[%get3A_344, %get3A_345] {strides = array<i32>} : memref<240x64xf32, #tpu.memory_space<vmem>>, vector<16xf32>,
        %add3A_347 = arith.addf %get3A_343, %get3A_346 : vector<16xf32>
        %get3A_348 = arith.index_cast %while3A_300 : i32 to index
        %get3A_349 = arith.constant 32 : index
        %get3A_350 = tpu.vector_load %arg14[%get3A_348, %get3A_349] {strides = array<i32>} : memref<240x64xf32, #tpu.memory_space<vmem>>, vector<16xf32>,
        %add3A_351 = arith.addf %add3A_347, %get3A_350 : vector<16xf32>
        %get3A_352 = arith.index_cast %while3A_300 : i32 to index
        %get3A_353 = arith.constant 32 : index
        %get3A_354 = tpu.vector_load %arg15[%get3A_352, %get3A_353] {strides = array<i32>} : memref<240x64xf32, #tpu.memory_space<vmem>>, vector<16xf32>,
        %add3A_355 = arith.addf %add3A_351, %get3A_354 : vector<16xf32>
        %add3A_356 = arith.constant 7200 : i32
        %add3A_357 = arith.addi %add3A_356, %squeeze3A : i32
        %add3A_358 = vector.broadcast %add3A_357 : i32 to vector<16xi32>
        %add3A_359 = arith.addi %mul3A_123, %add3A_358 : vector<16xi32>
        tpu.vector_store_idx %arg16[%add3A_359], %add3A_355 : memref<14400xf32, #tpu.memory_space<vmem>>[vector<16xi32>], vector<16xf32>,
        %get3A_360 = arith.index_cast %while3A_300 : i32 to index
        %get3A_361 = arith.constant 48 : index
        %get3A_362 = tpu.vector_load %arg12[%get3A_360, %get3A_361] {strides = array<i32>} : memref<240x64xf32, #tpu.memory_space<vmem>>, vector<16xf32>,
        %get3A_363 = arith.index_cast %while3A_300 : i32 to index
        %get3A_364 = arith.constant 48 : index
        %get3A_365 = tpu.vector_load %arg13[%get3A_363, %get3A_364] {strides = array<i32>} : memref<240x64xf32, #tpu.memory_space<vmem>>, vector<16xf32>,
        %add3A_366 = arith.addf %get3A_362, %get3A_365 : vector<16xf32>
        %get3A_367 = arith.index_cast %while3A_300 : i32 to index
        %get3A_368 = arith.constant 48 : index
        %get3A_369 = tpu.vector_load %arg14[%get3A_367, %get3A_368] {strides = array<i32>} : memref<240x64xf32, #tpu.memory_space<vmem>>, vector<16xf32>,
        %add3A_370 = arith.addf %add3A_366, %get3A_369 : vector<16xf32>
        %get3A_371 = arith.index_cast %while3A_300 : i32 to index
        %get3A_372 = arith.constant 48 : index
        %get3A_373 = tpu.vector_load %arg15[%get3A_371, %get3A_372] {strides = array<i32>} : memref<240x64xf32, #tpu.memory_space<vmem>>, vector<16xf32>,
        %add3A_374 = arith.addf %add3A_370, %get3A_373 : vector<16xf32>
        %add3A_375 = arith.constant 10800 : i32
        %add3A_376 = arith.addi %add3A_375, %squeeze3A : i32
        %add3A_377 = vector.broadcast %add3A_376 : i32 to vector<16xi32>
        %add3A_378 = arith.addi %mul3A_123, %add3A_377 : vector<16xi32>
        tpu.vector_store_idx %arg16[%add3A_378], %add3A_374 : memref<14400xf32, #tpu.memory_space<vmem>>[vector<16xi32>], vector<16xf32>,
      }
      %while3A_299 = arith.constant 1 : i32
      scf.for %while3A_300 = %while3A_297 to %while3A_293 step %while3A_299  : i32 {
        %get3A_301 = arith.index_cast %while3A_300 : i32 to index
        %get3A_302 = tpu.vector_load %arg11[%get3A_301] {strides = array<i32>} : memref<240xi32, #tpu.memory_space<vmem>>, vector<16xi32>,
        %slice3A = vector.extract_strided_slice %get3A_302 {offsets = [0], sizes = [1], strides = [1]} : vector<16xi32> to vector<1xi32>
        %squeeze3A = vector.extract %slice3A[0] : i32 from vector<1xi32>
        %get3A_303 = arith.index_cast %while3A_300 : i32 to index
        %get3A_304 = arith.constant 0 : index
        %get3A_305 = tpu.vector_load %arg12[%get3A_303, %get3A_304] {strides = array<i32>} : memref<240x64xf32, #tpu.memory_space<vmem>>, vector<16xf32>,
        %get3A_306 = arith.index_cast %while3A_300 : i32 to index
        %get3A_307 = arith.constant 0 : index
        %get3A_308 = tpu.vector_load %arg13[%get3A_306, %get3A_307] {strides = array<i32>} : memref<240x64xf32, #tpu.memory_space<vmem>>, vector<16xf32>,
        %add3A_309 = arith.addf %get3A_305, %get3A_308 : vector<16xf32>
        %get3A_310 = arith.index_cast %while3A_300 : i32 to index
        %get3A_311 = arith.constant 0 : index
        %get3A_312 = tpu.vector_load %arg14[%get3A_310, %get3A_311] {strides = array<i32>} : memref<240x64xf32, #tpu.memory_space<vmem>>, vector<16xf32>,
        %add3A_313 = arith.addf %add3A_309, %get3A_312 : vector<16xf32>
        %get3A_314 = arith.index_cast %while3A_300 : i32 to index
        %get3A_315 = arith.constant 0 : index
        %get3A_316 = tpu.vector_load %arg15[%get3A_314, %get3A_315] {strides = array<i32>} : memref<240x64xf32, #tpu.memory_space<vmem>>, vector<16xf32>,
        %add3A_317 = arith.addf %add3A_313, %get3A_316 : vector<16xf32>
        %add3A_318 = arith.constant 0 : i32
        %add3A_319 = arith.addi %add3A_318, %squeeze3A : i32
        %add3A_320 = vector.broadcast %add3A_319 : i32 to vector<16xi32>
        %add3A_321 = arith.addi %mul3A_123, %add3A_320 : vector<16xi32>
        tpu.vector_store_idx %arg16[%add3A_321], %add3A_317 : memref<14400xf32, #tpu.memory_space<vmem>>[vector<16xi32>], vector<16xf32>,
        %get3A_322 = arith.index_cast %while3A_300 : i32 to index
        %get3A_323 = arith.constant 16 : index
        %get3A_324 = tpu.vector_load %arg12[%get3A_322, %get3A_323] {strides = array<i32>} : memref<240x64xf32, #tpu.memory_space<vmem>>, vector<16xf32>,
        %get3A_325 = arith.index_cast %while3A_300 : i32 to index
        %get3A_326 = arith.constant 16 : index
        %get3A_327 = tpu.vector_load %arg13[%get3A_325, %get3A_326] {strides = array<i32>} : memref<240x64xf32, #tpu.memory_space<vmem>>, vector<16xf32>,
        %add3A_328 = arith.addf %get3A_324, %get3A_327 : vector<16xf32>
        %get3A_329 = arith.index_cast %while3A_300 : i32 to index
        %get3A_330 = arith.constant 16 : index
        %get3A_331 = tpu.vector_load %arg14[%get3A_329, %get3A_330] {strides = array<i32>} : memref<240x64xf32, #tpu.memory_space<vmem>>, vector<16xf32>,
        %add3A_332 = arith.addf %add3A_328, %get3A_331 : vector<16xf32>
        %get3A_333 = arith.index_cast %while3A_300 : i32 to index
        %get3A_334 = arith.constant 16 : index
        %get3A_335 = tpu.vector_load %arg15[%get3A_333, %get3A_334] {strides = array<i32>} : memref<240x64xf32, #tpu.memory_space<vmem>>, vector<16xf32>,
        %add3A_336 = arith.addf %add3A_332, %get3A_335 : vector<16xf32>
        %add3A_337 = arith.constant 3600 : i32
        %add3A_338 = arith.addi %add3A_337, %squeeze3A : i32
        %add3A_339 = vector.broadcast %add3A_338 : i32 to vector<16xi32>
        %add3A_340 = arith.addi %mul3A_123, %add3A_339 : vector<16xi32>
        tpu.vector_store_idx %arg16[%add3A_340], %add3A_336 : memref<14400xf32, #tpu.memory_space<vmem>>[vector<16xi32>], vector<16xf32>,
        %get3A_341 = arith.index_cast %while3A_300 : i32 to index
        %get3A_342 = arith.constant 32 : index
        %get3A_343 = tpu.vector_load %arg12[%get3A_341, %get3A_342] {strides = array<i32>} : memref<240x64xf32, #tpu.memory_space<vmem>>, vector<16xf32>,
        %get3A_344 = arith.index_cast %while3A_300 : i32 to index
        %get3A_345 = arith.constant 32 : index
        %get3A_346 = tpu.vector_load %arg13[%get3A_344, %get3A_345] {strides = array<i32>} : memref<240x64xf32, #tpu.memory_space<vmem>>, vector<16xf32>,
        %add3A_347 = arith.addf %get3A_343, %get3A_346 : vector<16xf32>
        %get3A_348 = arith.index_cast %while3A_300 : i32 to index
        %get3A_349 = arith.constant 32 : index
        %get3A_350 = tpu.vector_load %arg14[%get3A_348, %get3A_349] {strides = array<i32>} : memref<240x64xf32, #tpu.memory_space<vmem>>, vector<16xf32>,
        %add3A_351 = arith.addf %add3A_347, %get3A_350 : vector<16xf32>
        %get3A_352 = arith.index_cast %while3A_300 : i32 to index
        %get3A_353 = arith.constant 32 : index
        %get3A_354 = tpu.vector_load %arg15[%get3A_352, %get3A_353] {strides = array<i32>} : memref<240x64xf32, #tpu.memory_space<vmem>>, vector<16xf32>,
        %add3A_355 = arith.addf %add3A_351, %get3A_354 : vector<16xf32>
        %add3A_356 = arith.constant 7200 : i32
        %add3A_357 = arith.addi %add3A_356, %squeeze3A : i32
        %add3A_358 = vector.broadcast %add3A_357 : i32 to vector<16xi32>
        %add3A_359 = arith.addi %mul3A_123, %add3A_358 : vector<16xi32>
        tpu.vector_store_idx %arg16[%add3A_359], %add3A_355 : memref<14400xf32, #tpu.memory_space<vmem>>[vector<16xi32>], vector<16xf32>,
        %get3A_360 = arith.index_cast %while3A_300 : i32 to index
        %get3A_361 = arith.constant 48 : index
        %get3A_362 = tpu.vector_load %arg12[%get3A_360, %get3A_361] {strides = array<i32>} : memref<240x64xf32, #tpu.memory_space<vmem>>, vector<16xf32>,
        %get3A_363 = arith.index_cast %while3A_300 : i32 to index
        %get3A_364 = arith.constant 48 : index
        %get3A_365 = tpu.vector_load %arg13[%get3A_363, %get3A_364] {strides = array<i32>} : memref<240x64xf32, #tpu.memory_space<vmem>>, vector<16xf32>,
        %add3A_366 = arith.addf %get3A_362, %get3A_365 : vector<16xf32>
        %get3A_367 = arith.index_cast %while3A_300 : i32 to index
        %get3A_368 = arith.constant 48 : index
        %get3A_369 = tpu.vector_load %arg14[%get3A_367, %get3A_368] {strides = array<i32>} : memref<240x64xf32, #tpu.memory_space<vmem>>, vector<16xf32>,
        %add3A_370 = arith.addf %add3A_366, %get3A_369 : vector<16xf32>
        %get3A_371 = arith.index_cast %while3A_300 : i32 to index
        %get3A_372 = arith.constant 48 : index
        %get3A_373 = tpu.vector_load %arg15[%get3A_371, %get3A_372] {strides = array<i32>} : memref<240x64xf32, #tpu.memory_space<vmem>>, vector<16xf32>,
        %add3A_374 = arith.addf %add3A_370, %get3A_373 : vector<16xf32>
        %add3A_375 = arith.constant 10800 : i32
        %add3A_376 = arith.addi %add3A_375, %squeeze3A : i32
        %add3A_377 = vector.broadcast %add3A_376 : i32 to vector<16xi32>
        %add3A_378 = arith.addi %mul3A_123, %add3A_377 : vector<16xi32>
        tpu.vector_store_idx %arg16[%add3A_378], %add3A_374 : memref<14400xf32, #tpu.memory_space<vmem>>[vector<16xi32>], vector<16xf32>,
      }
      "tpu.region"() ({
        %run_scoped3A = tpu.sem_alloc : memref<!tpu.dma_semaphore, #tpu.memory_space<semaphore_mem>>
        %dma_start3A_300 = arith.constant 0 : i32
        %dma_start3A_301 = tpu.memref_slice %arg5[%add3A_177, %dma_start3A_300] : memref<1024x14400xf32, #tpu.memory_space<hbm>> -> memref<1x14400xf32, #tpu.memory_space<hbm>>
        %dma_start3A_302 = tpu.memref_squeeze %dma_start3A_301 : memref<1x14400xf32, #tpu.memory_space<hbm>> -> memref<14400xf32, #tpu.memory_space<hbm>>
        %dma_start3A_303 = arith.constant 0 : i32
        %dma_start3A_304 = tpu.memref_slice %arg5[%add3A_177, %dma_start3A_303] : memref<1024x14400xf32, #tpu.memory_space<hbm>> -> memref<1x14400xf32, #tpu.memory_space<hbm>>
        %dma_start3A_305 = tpu.memref_squeeze %dma_start3A_304 : memref<1x14400xf32, #tpu.memory_space<hbm>> -> memref<14400xf32, #tpu.memory_space<hbm>>
        tpu.enqueue_dma source(%arg16 : memref<14400xf32, #tpu.memory_space<vmem>>) target(%dma_start3A_305 : memref<14400xf32, #tpu.memory_space<hbm>>) target_semaphore(%run_scoped3A : memref<!tpu.dma_semaphore, #tpu.memory_space<semaphore_mem>>)
        %dma_wait3A_306 = arith.constant 0 : i32
        %dma_wait3A_307 = tpu.memref_slice %arg5[%add3A_177, %dma_wait3A_306] : memref<1024x14400xf32, #tpu.memory_space<hbm>> -> memref<1x14400xf32, #tpu.memory_space<hbm>>
        %dma_wait3A_308 = tpu.memref_squeeze %dma_wait3A_307 : memref<1x14400xf32, #tpu.memory_space<hbm>> -> memref<14400xf32, #tpu.memory_space<hbm>>
        %dma_wait3A_309 = arith.constant 0 : i32
        %dma_wait3A_310 = tpu.memref_slice %arg5[%add3A_177, %dma_wait3A_309] : memref<1024x14400xf32, #tpu.memory_space<hbm>> -> memref<1x14400xf32, #tpu.memory_space<hbm>>
        %dma_wait3A_311 = tpu.memref_squeeze %dma_wait3A_310 : memref<1x14400xf32, #tpu.memory_space<hbm>> -> memref<14400xf32, #tpu.memory_space<hbm>>
        tpu.wait_dma2 semaphore(%run_scoped3A : memref<!tpu.dma_semaphore, #tpu.memory_space<semaphore_mem>>) src(%arg16 : memref<14400xf32, #tpu.memory_space<vmem>>) dst(%dma_wait3A_311 : memref<14400xf32, #tpu.memory_space<hbm>>)
        tpu.yield
      }) : () -> ()
    }
    %scan3A_173 = arith.constant 32 : i32
    return
  }
}

</mosaic_0001>

<sc_bundles>
// kernel: kernel.3.cloned.1.call-start
scs
__scs_entry_jumppad:
0x0: {  	(pc) =	sbr.rel $0x88, $3  }
0x1: {  	(tag) =	ssettag $0x0;
	lr =	simm.s32 $0x1  }
0x2: {  	[smem:$0x3F9D] =	sst lr;
	_ =	strace $0xD0000000  }
0x3: {  	_ = 	snop  }
0x4: {  	_ = 	snop  }
0x5: {  	_ = 	snop  }
0x6: {  	_ = 	snop  }
0x7: {  	_ = 	snop  }
__scs_overlays_trampoline_lowered:
0x8: {  	[smem:$0x3FAC] =	sst s0  }
0x9: {  	[smem:$0x3FAD] =	sst s1  }
0xa: {  	[smem:$0x3FAE] =	sst s2  }
0xb: {  	[smem:$0x3FAF] =	sst s3  }
0xc: {  	[smem:$0x3FB0] =	sst s4  }
0xd: {  	[smem:$0x3FB1] =	sst s5  }
0xe: {  	[smem:$0x3FB2] =	sst s6  }
0xf: {  	[smem:$0x3FB3] =	sst s7  }
0x10: {  	[smem:$0x3FB4] =	sst s8  }
0x11: {  	[smem:$0x3FB5] =	sst s9;
	s0 =	simm.s32 @!p0 $0x0  }
0x12: {  	s1 =	sld [smem:$0x3F9B];
	s0 =	simm.s32 @p0 $0x1  }
0x13: {  	[smem:$0x3FB6] =	sst s0;
	s0 =	simm.s32 @!p1 $0x0  }
0x14: {  	s2 =	sld [smem:$0x3F9A];
	s0 =	simm.s32 @p1 $0x1  }
0x15: {  	[smem:$0x3FB7] =	sst s0;
	s0 =	simm.s32 @!p2 $0x0  }
0x16: {  	s3 =	sld [smem:$0x3FDB];
	s0 =	simm.s32 @p2 $0x1  }
0x17: {  	s4 =	simm.s32 $0x1BF5;
	[smem:$0x3FB9] =	sst s0  }
0x18: {  	s0 =	sld [smem:$0x3F9C];
	_ =	swait.ge [sflag:s4], $0x0  }
0x19: {  	s7 =	sld [smem:$0x3F9D]  }
0x1a: {  	s8 =	sadd.s32 $0xFFFFE003, lr  }
0x1b: {  	s9 =	sadd.s32 $0xFFFFFEF7, lr;
	s5 =	simm.s32 $0xFFFFFFFF;
	p2 =	slt.u32 s8, $0xFFFFF086  }
0x1c: {  	p1 =	slt.u32 s9, $0xF7A;
	s5 =	simm.s32 @!p2 $0x0  }
0x1d: {  	s5 =	simm.s32 @p1 $0x1;
	p0 =	seq.s32 s7, s2  }
0x1e: {  	s7 =	smul.u32 @!p0 $0xF7A, s2;
	p2 =	seq.s32 @!p0 s5, $0x0  }
0x1f: {  	s9 =	smul.u32 $0xF7A, s1;
	s8 =	simm.s32 @!p0 $0x1BF5;
	p2 =	por !p2, p0  }
0x20: {  	[sflag:s8] =	ssyncset.s32 @!p0 $0xFFFFF086;
	s6 =	sadd.s32 @!p0 s3, s7;
	s7 =	simm.s32 @!p0 $0x108  }
0x21: {  	s3 =	sadd.s32 s3, s9;
	s6 =	sadd.s32 @!p0 $0x88, s6;
	s7 =	simm.s32 @p2 $0x1082  }
0x22: {  	[simem:s7], [sflag:s8] =	dma.local @!p0 [hbm:s6], $0xF7A  }
0x23: {  	s9 =	sor.u32 $0xD0000000, s2;
	s6 =	simm.s32 $0x108;
	_ =	swait.ge @!p0 [sflag:s8], $0x0  }
0x24: {  	s3 =	sadd.s32 $0x88, s3;
	s6 =	simm.s32 @!p1 $0x1082;
	[sflag:s4] =	ssyncset.s32 $0xFFFFF086  }
0x25: {  	[simem:s6], [sflag:s4] =	dma.local [hbm:s3], $0xF7A  }
0x26: {  	[smem:$0x3F9D] =	sst s1;
	(tag) =	ssettag s2;
	_ =	strace s9  }
0x27: {  	s1 =	sld [smem:$0x3FAD]  }
0x28: {  	s2 =	sld [smem:$0x3FAE]  }
0x29: {  	s4 =	sld [smem:$0x3FB0]  }
0x2a: {  	p0 =	seq.s32 s5, $0x0;
	s5 =	sld [smem:$0x3FB1]  }
0x2b: {  	s6 =	sld [smem:$0x3FB2]  }
0x2c: {  	s7 =	sld [smem:$0x3FB3]  }
0x2d: {  	s3 =	simm.s32 $0x108;
	s8 =	sld [smem:$0x3FB4]  }
0x2e: {  	s3 =	simm.s32 @!p0 $0x1082;
	s9 =	sld [smem:$0x3FB5]  }
0x2f: {  	lr =	sadd.s32 s0, s3;
	s0 =	sld [smem:$0x3FAC]  }
0x30: {  	s3 =	sld [smem:$0x3FAF]  }
0x31: {  	[smem:$0x3FB8] =	sst s10  }
0x32: {  	s10 =	sld [smem:$0x3FB6];
	_ =	sdelay $0x3  }
0x33: {  	p0 =	seq.s32 s10, $0x1;
	s10 =	sld [smem:$0x3FB8];
	_ =	sdelay $0x3  }
0x34: {  	[smem:$0x3FB8] =	sst s10  }
0x35: {  	s10 =	sld [smem:$0x3FB7];
	_ =	sdelay $0x3  }
0x36: {  	p1 =	seq.s32 s10, $0x1;
	s10 =	sld [smem:$0x3FB8];
	_ =	sdelay $0x3  }
0x37: {  	[smem:$0x3FB8] =	sst s10  }
0x38: {  	s10 =	sld [smem:$0x3FB9]  }
0x39: {  	_ = 	snop;
	(pc) =	sbr.ind lr, $3  }
0x3a: {  	_ = 	snop  }
0x3b: {  	_ = 	snop  }
0x3c: {  	p2 =	seq.s32 s10, $0x1;
	s10 =	sld [smem:$0x3FB8]  }
0x3d: {  	_ =	shalt  }
0x3e: {  	_ =	shalt  }
0x3f: {  	_ =	shalt  }
0x40: {  	_ =	shalt  }
0x41: {  	_ =	shalt  }
0x42: {  	_ =	shalt  }
0x43: {  	_ =	shalt  }
0x44: {  	_ =	shalt  }
0x45: {  	_ =	shalt  }
0x46: {  	_ =	shalt  }
0x47: {  	_ =	shalt  }
0x48: {  	_ =	shalt  }
0x49: {  	_ =	shalt  }
0x4a: {  	_ =	shalt  }
0x4b: {  	_ =	shalt  }
0x4c: {  	_ =	shalt  }
0x4d: {  	_ =	shalt  }
0x4e: {  	_ =	shalt  }
0x4f: {  	_ =	shalt  }
0x50: {  	_ =	shalt  }
0x51: {  	_ =	shalt  }
0x52: {  	_ =	shalt  }
0x53: {  	_ =	shalt  }
0x54: {  	_ =	shalt  }
0x55: {  	_ =	shalt  }
0x56: {  	_ =	shalt  }
0x57: {  	_ =	shalt  }
0x58: {  	_ =	shalt  }
0x59: {  	_ =	shalt  }
0x5a: {  	_ =	shalt  }
0x5b: {  	_ =	shalt  }
0x5c: {  	_ =	shalt  }
0x5d: {  	_ =	shalt  }
0x5e: {  	_ =	shalt  }
0x5f: {  	_ =	shalt  }
0x60: {  	_ =	shalt  }
0x61: {  	_ =	shalt  }
0x62: {  	_ =	shalt  }
0x63: {  	_ =	shalt  }
0x64: {  	_ =	shalt  }
0x65: {  	_ =	shalt  }
0x66: {  	_ =	shalt  }
0x67: {  	_ =	shalt  }
0x68: {  	_ =	shalt  }
0x69: {  	_ =	shalt  }
0x6a: {  	_ =	shalt  }
0x6b: {  	_ =	shalt  }
0x6c: {  	_ =	shalt  }
0x6d: {  	_ =	shalt  }
0x6e: {  	_ =	shalt  }
0x6f: {  	_ =	shalt  }
0x70: {  	_ =	shalt  }
0x71: {  	_ =	shalt  }
0x72: {  	_ =	shalt  }
0x73: {  	_ =	shalt  }
0x74: {  	_ =	shalt  }
0x75: {  	_ =	shalt  }
0x76: {  	_ =	shalt  }
0x77: {  	_ =	shalt  }
0x78: {  	_ =	shalt  }
0x79: {  	_ =	shalt  }
0x7a: {  	_ =	shalt  }
0x7b: {  	_ =	shalt  }
0x7c: {  	_ =	shalt  }
0x7d: {  	_ =	shalt  }
0x7e: {  	_ =	shalt  }
0x7f: {  	_ =	shalt  }
0x80: {  	_ =	shalt  }
0x81: {  	_ =	shalt  }
0x82: {  	_ =	shalt  }
0x83: {  	_ =	shalt  }
0x84: {  	_ =	shalt  }
0x85: {  	_ =	shalt  }
0x86: {  	_ =	shalt  }
0x87: {  	_ =	shalt  }
.Lfunc_end0:
.L_simem_size_0:
called_computation.2_lowered:
.L_overlay_start_0:
0x88: {  	s2 =	sld [smem:$0x3FD9]  }
0x89: {  	s3 =	sld [smem:$0x3FFE];
	_ =	sdelay $0x1  }
0x8a: {  	s1 =	srdreg.scid  }
0x8b: {  	s0 =	sand.u32 $0x1, s1  }
0x8c: {  	s17 =	sshll.u32 s0, $0xA;
	s2 =	sadd.s32 s3, s2  }
0x8d: {  	s2 =	sadd.s32 s2, s17  }
0x8e: {  	[smem:$0x3FC4] =	sst s2  }
0x8f: {  	_ = 	snop  }
0x90: {  	s2 =	sld [smem:$0x3FD0];
	(tm) =	ssettm $0x1  }
0x91: {  	s18 =	sld [smem:$0x3FFB];
	_ =	sdelay $0x3  }
0x92: {  	_ =	strace s18  }
0x93: {  	s3 =	sld [smem:$0x3FFC];
	_ =	sdelay $0x3  }
0x94: {  	_ =	strace s3  }
0x95: {  	s3 =	sld [smem:$0x3FFD];
	_ =	sdelay $0x3  }
0x96: {  	_ =	strace s3  }
0x97: {  	_ =	strace $0x8FFFFFFF  }
0x98: {  	s19 =	sld [smem:$0x3FDB];
	_ =	sdelay $0x1  }
0x99: {  	s4 =	simm.s32 $_scs_section_size  }
0x9a: {  	s5 =	simm.s32 $_size__tile_overlayer_lowered;
	s6 =	simm.s32 $_tile_overlayer_lowered  }
0x9b: {  	s22 =	simm.s32 $0x1BFF;
	s21 =	sshll.u32 s6, $0x1;
	s3 =	sadd.s32 s4, s19  }
0x9c: {  	s7 =	simm.s32 $0x0;
	s20 =	sshll.u32 s5, $0x1;
	s5 =	sadd.s32 s21, s3  }
0x9d: {  	[timem:s7], [sflag:s22] =	dma.local [hbm:s5], s20  }
0x9e: {  	_ =	swait.ge [sflag:s22], s20  }
0x9f: {  	s4 =	ssub.s32 $0x0, s20;
	[sflag:s22] =	ssyncset.done $0x0  }
0xa0: {  	[sflag:s22] =	ssyncadd.s32 s4;
	_ =	sdelay $0x1  }
0xa1: {  	s23 =	simm.s32 $0x1B8B  }
0xa2: {  	_ =	swait.ge [sflag:s23], $0x1  }
0xa3: {  	[sflag:s23] =	ssyncset.done $0x0  }
0xa4: {  	s25 =	simm.s32 $0x1B8E;
	s24 =	sld [smem:$0x3FFE];
	[sflag:s23] =	ssyncadd.s32 $0xFFFFFFFF  }
0xa5: {  	s26 =	simm.s32 $execute0_lowered;
	[smem:$0x3FD2] =	sst s25  }
0xa6: {  	s5 =	sshll.u32 s26, $0x1;
	_ =	strace $0x80000046;
	[dreg:$0x1] =	wrdreg $0xFFFFFFFF  }
0xa7: {  	s28 =	simm.s32 $_size_execute0_lowered;
	s3 =	sadd.s32 s3, s5;
	[dreg:$0x0] =	wrdreg $0x0  }
0xa8: {  	s5 =	sshll.u32 s28, $0x1;
	[dreg:$0x2] =	wrdreg s3  }
0xa9: {  	[dreg:$0x3] =	wrdreg s5  }
0xaa: {  	[dreg:$0x4] =	wrdreg $0xC0  }
0xab: {  	_ =	task [dreg:s7], $0x5FFFF  }
0xac: {  	[dreg:$0x1] =	wrdreg $0xFFFFFFFF  }
0xad: {  	[dreg:$0x0] =	wrdreg $0x60  }
0xae: {  	[dreg:$0x2] =	wrdreg s24  }
0xaf: {  	[dreg:$0x3] =	wrdreg s2  }
0xb0: {  	[dreg:$0x4] =	wrdreg $0x1A2580  }
0xb1: {  	[dreg:$0x5] =	wrdreg $0x9  }
0xb2: {  	_ =	task.clear_ibuf [dreg:s7], $0x6FFFF;
	_ =	strace $0x90000046  }
0xb3: {  	s29 =	simm.s32 $0x9;
	_ =	strace $0x80000048  }
0xb4: {  	_ =	swait.ge [sflag:s29], $0x1  }
0xb5: {  	[sflag:s29] =	ssyncadd.s32 $0xFFFFFFFF  }
0xb6: {  	_ =	strace $0x90000048  }
0xb7: {  	_ =	sfence  }
0xb8: {  	s30 =	sld [smem:$0x0];
	_ =	sdelay $0x2  }
0xb9: {  	s31 =	sshll.u32 s1, $0xD;
	s1 =	sshrl.u32 s1, $0x2  }
0xba: {  	s3 =	sand.u32 $0x4000, s31;
	s1 =	sadd.s32 s1, s30  }
0xbb: {  	s0 =	sor.u32 s3, s0;
	s1 =	sshll.u32 s1, $0x11  }
0xbc: {  	s0 =	sor.u32 s1, s0  }
0xbd: {  	s0 =	sadd.s32 $0x8F2B, s0  }
0xbe: {  	[sflag:s0] =	ssyncadd.remote.s32 $0x1  }
0xbf: {  	_ =	sfence.sel $0xFFFF  }
0xc0: {  	[dreg:$0x0] =	wrdreg $0xFFFFFFFF;
	(pc) =	sbr.abs _section_cstart, $3  }
0xc1: {  	[dreg:$0x1] =	wrdreg $0xFFFFFFFF  }
0xc2: {  	_ =	task.clear_ibuf [dreg:s7], $0x2FFFF;
	_ =	strace $0x9FFFFFFF  }
0xc3: {  	(tm) =	ssettm $0x7FFFFFFF  }
tec
execute0_lowered:
.L_overlay_start_1:
0x0: {  	(tag) =	ssettag $0x1  }
0x1: {  	s0 =	rddreg [dreg:$0x0]  }
0x2: {  	s3 =	rddreg [dreg:$0x2];
	s1 =	simm.s32 $0x0;
	s26 =	srdreg.scid  }
0x3: {  	s5 =	stileid.u32;
	s13 =	simm.s32 $0x2;
	s16 =	simm.s32 $0x1  }
0x4: {  	s18 =	simm.s32 $0x13078;
	s19 =	simm.s32 $0x388;
	s20 =	simm.s32 $0x478  }
0x5: {  	s21 =	simm.s32 $0x568;
	s22 =	simm.s32 $0x658;
	s23 =	simm.s32 $0x748  }
0x6: {  	s24 =	simm.s32 $0x8;
	s25 =	simm.s32 $0xF838;
	[smem:$0x7FF] =	sst s1  }
0x7: {  	s2 =	sadd.s32 $0x1400, s0;
	s1 =	sand.u32 $0x1, s26;
	s4 =	smul.u32 $0x11706, s5  }
0x8: {  	s6 =	sadd.s32 $0x1D800, s0;
	s7 =	sadd.s32 $0x105AA00, s0;
	s10 =	smul.u32 $0xF00, s5  }
0x9: {  	s9 =	sshll.u32 s5, $0x6;
	s8 =	smul.u32 $0xF, s5;
	s28 =	ssub.s32 $0x2, s1  }
.Ltmp0:
0xa: {  	v0 =	vlaneseq.u32;
	_ =	strace $0x80000047;
	s29 =	sshrl.u32 s28, $0x1;
	(pc) =	sbr.rel .LBB2_1-.Ltmp0, $4  }
0xb: {  	v1 =	vand.u32 $0x1, v0;
	[dreg:$0x4] =	wrdreg s2;
	s30 =	sadd.s32 $0x1299, s4;
	s0 =	ssub.s32 s28, s29  }
0xc: {  	vm0 =	vcmask $0x3F3C;
	v5 =	vmul.u32 $0x129A, v0;
	v2 =	vmul.u32 $0x94D, v1;
	s31 =	sshrl.u32 s10, $0x2;
	[dreg:$0x6] =	wrdreg s30;
	s0 =	smax.u32 s0, $0x1  }
0xd: {  	v3 =	vmul.u32 $0xE1, v0;
	v6 =	vadd.s32 $0xD1, v0;
	s1 =	sshll.u32 s1, $0x5;
	v1 =	vimm.s32 $0x0;
	[dreg:$0x5] =	wrdreg s0;
	s0 =	sadd.s32 s31, s3  }
0xe: {  	s9 =	sor.u32 s1, s9;
	v4 =	vadd.s32 $0xF2FBA, v5;
	v5 =	vadd.s32 $0xF3907, v5;
	s1 =	simm.s32 $0x0;
	v2 =	vadd.s32 $0x94C, v2;
	[dreg:$0x7] =	wrdreg s0  }
.LBB2_20:
0xf: {  	s1 =	rddreg [dreg:$0x8]  }
0x10: {  	s0 =	rddreg [dreg:$0x5];
	s1 =	sadd.s32 $0x1, s1  }
0x11: {  	p0 =	sne.s32 s1, s0  }
.Ltmp1:
0x12: {  	_ = 	snop;
	(pc) =	sbr.rel @!p0 .LBB2_21-.Ltmp1, $1  }
0x13: {  	_ =	sdelay $0x3  }
.LBB2_1:
0x14: {  	[tilespmem:$0x388] =	vst v1  }
0x15: {  	[tilespmem:$0x398] =	vst v1  }
0x16: {  	[tilespmem:$0x3A8] =	vst v1  }
0x17: {  	[tilespmem:$0x3B8] =	vst v1  }
0x18: {  	[tilespmem:$0x3C8] =	vst v1  }
0x19: {  	[tilespmem:$0x3D8] =	vst v1  }
0x1a: {  	[tilespmem:$0x3E8] =	vst v1  }
0x1b: {  	[tilespmem:$0x3F8] =	vst v1  }
0x1c: {  	[tilespmem:$0x408] =	vst v1  }
0x1d: {  	[tilespmem:$0x418] =	vst v1  }
0x1e: {  	[tilespmem:$0x428] =	vst v1  }
0x1f: {  	[tilespmem:$0x438] =	vst v1  }
0x20: {  	[tilespmem:$0x448] =	vst v1  }
0x21: {  	[tilespmem:$0x458] =	vst v1  }
0x22: {  	[tilespmem:$0x468] =	vst v1  }
0x23: {  	[tilespmem:$0x478] =	vst v1  }
0x24: {  	[tilespmem:$0x488] =	vst v1  }
0x25: {  	[tilespmem:$0x498] =	vst v1  }
0x26: {  	[tilespmem:$0x4A8] =	vst v1  }
0x27: {  	[tilespmem:$0x4B8] =	vst v1  }
0x28: {  	[tilespmem:$0x4C8] =	vst v1  }
0x29: {  	[tilespmem:$0x4D8] =	vst v1  }
0x2a: {  	[tilespmem:$0x4E8] =	vst v1  }
0x2b: {  	[tilespmem:$0x4F8] =	vst v1  }
0x2c: {  	[tilespmem:$0x508] =	vst v1  }
0x2d: {  	[tilespmem:$0x518] =	vst v1  }
0x2e: {  	[tilespmem:$0x528] =	vst v1  }
0x2f: {  	[tilespmem:$0x538] =	vst v1  }
0x30: {  	[tilespmem:$0x548] =	vst v1  }
0x31: {  	[tilespmem:$0x558] =	vst v1  }
0x32: {  	[tilespmem:$0x568] =	vst v1  }
0x33: {  	[tilespmem:$0x578] =	vst v1  }
0x34: {  	[tilespmem:$0x588] =	vst v1  }
0x35: {  	[tilespmem:$0x598] =	vst v1  }
0x36: {  	[tilespmem:$0x5A8] =	vst v1  }
0x37: {  	[tilespmem:$0x5B8] =	vst v1  }
0x38: {  	[tilespmem:$0x5C8] =	vst v1  }
0x39: {  	[tilespmem:$0x5D8] =	vst v1  }
0x3a: {  	[tilespmem:$0x5E8] =	vst v1  }
0x3b: {  	[tilespmem:$0x5F8] =	vst v1  }
0x3c: {  	[tilespmem:$0x608] =	vst v1  }
0x3d: {  	[tilespmem:$0x618] =	vst v1  }
0x3e: {  	[tilespmem:$0x628] =	vst v1  }
0x3f: {  	[tilespmem:$0x638] =	vst v1  }
0x40: {  	[tilespmem:$0x648] =	vst v1  }
0x41: {  	[tilespmem:$0x658] =	vst v1  }
0x42: {  	[tilespmem:$0x668] =	vst v1  }
0x43: {  	[tilespmem:$0x678] =	vst v1  }
0x44: {  	[tilespmem:$0x688] =	vst v1  }
0x45: {  	[tilespmem:$0x698] =	vst v1  }
0x46: {  	[tilespmem:$0x6A8] =	vst v1  }
0x47: {  	[tilespmem:$0x6B8] =	vst v1  }
0x48: {  	[tilespmem:$0x6C8] =	vst v1  }
0x49: {  	[tilespmem:$0x6D8] =	vst v1  }
0x4a: {  	[tilespmem:$0x6E8] =	vst v1  }
0x4b: {  	s0 =	sadd.s32 $0x0, s8;
	[tilespmem:$0x6F8] =	vst v1  }
0x4c: {  	[tilespmem:$0x708] =	vst v1;
	p0 =	sgt.u32 s0, $0xE0  }
0x4d: {  	[tilespmem:$0x718] =	vst v1;
	vm1 =	vcmask @!p0 $0xB08;
	vm2 =	vcmask @!p0 $0x300  }
0x4e: {  	[tilespmem:$0x728] =	vst v1;
	vm1 =	vmor @!p0 vm2, vm1;
	vm2 =	vcmask @!p0 $0x1310  }
0x4f: {  	[tilespmem:$0x738] =	vst v1;
	vm1 =	vmor @!p0 vm1, vm2;
	vm2 =	vcmask @!p0 $0x1B18  }
0x50: {  	[dreg:$0x8] =	wrdreg s1;
	[tilespmem:$0x1A0F8] =	vst v2;
	s17 =	simm.s32 $0x1A0F8;
	s26 =	simm.s32 $0x1A118;
	vm1 =	vmor @!p0 vm1, vm2;
	vm2 =	vcmask @!p0 $0x2320  }
0x51: {  	[tilespmem:s26], [sflag:$0x1] =	stream.indirect.gather [hbm4b:s6+s13], $0x40, s17, s13, $0xb8;
	vm1 =	vmor @!p0 vm1, vm2;
	vm2 =	vcmask @!p0 $0x2B28;
	[tilespmem:$0x1A5E0] =	vst v63  }
0x52: {  	_ =	swait.ge [sflag:s16], $0x80;
	vm1 =	vmor @!p0 vm1, vm2;
	vm2 =	vcmask @!p0 $0x3330  }
0x53: {  	s3 =	rddreg [dreg:$0x6];
	vm1 =	vmor @!p0 vm1, vm2;
	vm2 =	vcmask @!p0 $0x3B38  }
0x54: {  	p1 =	por p0, p0;
	[sflag:s16] =	ssyncset.done $0x0;
	s0 =	sadd.s32 @!p0 $0xFFFFF6B3, s3;
	v7 =	vmov @!p0 s3;
	vm1 =	vmor @!p0 vm1, vm2  }
0x55: {  	[sflag:s16] =	ssyncadd.s32 $0xFFFFFF80;
	v7 =	vsel @!p0 vm1, s0, v7;
	s0 =	simm.s32 @!p1 $0x1;
	p0 =	por p1, p1  }
0x56: {  	[tilespmem:$0x1A108] =	vst @!p0 v7;
	s28 =	simm.s32 @!p0 $0x2;
	s1 =	simm.s32 @!p0 $0x1A108;
	s2 =	simm.s32 @!p0 $0x1A198  }
0x57: {  	[tilespmem:s2], [sflag:$0x1] =	stream.indirect.gather @!p0 [hbm4b:s7+s28], $0x40, s1, s28, $0xb8;
	[tilespmem:$0x1A5E0] =	vst v63  }
0x58: {  	_ =	swait.ge @!p0 [sflag:s0], $0x80  }
0x59: {  	[sflag:s0] =	ssyncset.done @!p0 $0x0  }
0x5a: {  	[sflag:s0] =	ssyncadd.s32 @!p0 $0xFFFFFF80  }
0x5b: {  	v16 =	vld @!p0 [tilespmem:$0x1A198]  }
0x5c: {  	v8 =	vld @!p0 [tilespmem:$0x1A1B8]  }
0x5d: {  	v7 =	vld @!p0 [tilespmem:$0x1A158]  }
0x5e: {  	s31 =	sadd.s32 $0x1, s8;
	v17 =	vld @!p0 [tilespmem:$0x1A178]  }
0x5f: {  	p1 =	sgt.u32 s31, $0xE0;
	v9 =	vld @!p0 [tilespmem:$0x1A188]  }
0x60: {  	vm1 =	vcmask @!p1 $0xB08;
	vm2 =	vcmask @!p1 $0x300;
	v10 =	vld @!p0 [tilespmem:$0x1A168]  }
0x61: {  	vm1 =	vmor @!p1 vm2, vm1;
	vm2 =	vcmask @!p1 $0x1310;
	v14 =	vld @!p0 [tilespmem:$0x1A118]  }
0x62: {  	vm1 =	vmor @!p1 vm1, vm2;
	vm2 =	vcmask @!p1 $0x1B18;
	v18 =	vld @!p0 [tilespmem:$0x1A138]  }
0x63: {  	vm1 =	vmor @!p1 vm1, vm2;
	vm2 =	vcmask @!p1 $0x2320;
	v12 =	vld @!p0 [tilespmem:$0x1A128]  }
0x64: {  	vm1 =	vmor @!p1 vm1, vm2;
	vm2 =	vcmask @!p1 $0x2B28;
	v11 =	vld @!p0 [tilespmem:$0x1A148]  }
0x65: {  	vm1 =	vmor @!p1 vm1, vm2;
	vm2 =	vcmask @!p1 $0x3330;
	v13 =	vld @!p0 [tilespmem:$0x1A1D8]  }
0x66: {  	s0 =	sadd.s32 $0x129A, s3;
	vm1 =	vmor @!p1 vm1, vm2;
	vm2 =	vcmask @!p1 $0x3B38;
	v19 =	vadd.f32 @!p0 v7, v14;
	v14 =	vld @!p0 [tilespmem:$0x1A1A8]  }
0x67: {  	s4 =	rddreg [dreg:$0x7];
	s1 =	sadd.s32 @!p1 $0xFFFFF6B3, s0;
	v15 =	vld @!p0 [tilespmem:$0x1A1C8];
	vm1 =	vmor @!p1 vm1, vm2;
	v7 =	vmov @!p1 s0  }
0x68: {  	s30 =	simm.s32 $0x2;
	s29 =	smov.u32 s4;
	v17 =	vadd.f32 @!p0 v17, v18;
	v7 =	vsel @!p1 vm1, s1, v7;
	p1 =	por p1, p1;
	v18 =	vadd.f32 @!p0 v16, v19;
	v16 =	vld @!p0 [tilespmem:$0x1A1F8]  }
.LBB2_2:
0x69: {  	s0 =	sadd.s32 $0x129A, s0;
	v10 =	vadd.f32 @!p0 v10, v12;
	v12 =	vld @!p0 [tilespmem:$0x1A208];
	s1 =	smov.u32 s30;
	s30 =	sadd.s32 $0x1, s30  }
0x6a: {  	v9 =	vadd.f32 @!p0 v9, v11;
	s1 =	sadd.s32 s1, s8;
	p2 =	sne.s32 s30, $0xF;
	v13 =	vadd.f32 @!p0 v13, v18;
	v18 =	vld @!p0 [tilespmem:$0x1A1E8]  }
0x6b: {  	v8 =	vadd.f32 @!p0 v8, v17;
	p3 =	sgt.u32 s1, $0xE0;
	v10 =	vadd.f32 @!p0 v14, v10  }
0x6c: {  	s29 =	sadd.s32 $0x40, s29;
	[tilespmem:$0x1A218] =	vst @!p0 v13;
	v9 =	vadd.f32 @!p0 v15, v9  }
0x6d: {  	vm1 =	vcmask @!p3 $0xB08;
	vm2 =	vcmask @!p3 $0x300;
	v8 =	vadd.f32 @!p0 v16, v8  }
0x6e: {  	vm1 =	vmor @!p3 vm2, vm1;
	vm2 =	vcmask @!p3 $0x1310;
	v9 =	vadd.f32 @!p0 v12, v9  }
0x6f: {  	vm1 =	vmor @!p3 vm1, vm2;
	vm2 =	vcmask @!p3 $0x1B18;
	v10 =	vadd.f32 @!p0 v18, v10;
	[tilespmem:$0x1A238] =	vst @!p0 v8  }
0x70: {  	vm1 =	vmor @!p3 vm1, vm2;
	vm2 =	vcmask @!p3 $0x2320;
	[tilespmem:$0x1A248] =	vst @!p0 v9  }
0x71: {  	s1 =	simm.s32 @!p0 $0x1A218;
	vm1 =	vmor @!p3 vm1, vm2;
	vm2 =	vcmask @!p3 $0x2B28;
	[tilespmem:$0x1A228] =	vst @!p0 v10  }
0x72: {  	vm1 =	vmor @!p3 vm1, vm2;
	vm2 =	vcmask @!p3 $0x3330;
	[spmem:s4] =	stream.linear.scatter @!p0 [tilespmem:s1], [sflag:$0x2], $0x40, $0x38;
	[tilespmem:$0x1A5E0] =	vst v63  }
0x73: {  	s1 =	sadd.s32 @!p3 $0xFFFFF6B3, s0;
	vm1 =	vmor @!p3 vm1, vm2;
	vm2 =	vcmask @!p3 $0x3B38;
	s4 =	smov.u32 s29;
	_ =	swait.ge @!p0 [sflag:s28], $0x40  }
0x74: {  	v8 =	vmov @!p3 s0;
	vm1 =	vmor @!p3 vm1, vm2;
	[sflag:s28] =	ssyncset.done @!p0 $0x0  }
0x75: {  	v8 =	vsel @!p3 vm1, s1, v8;
	s1 =	simm.s32 @!p1 $0x1;
	[sflag:s28] =	ssyncadd.s32 @!p0 $0xFFFFFFC0;
	p0 =	por p1, p1  }
0x76: {  	[tilespmem:$0x1A108] =	vst @!p0 v7;
	s28 =	simm.s32 @!p0 $0x2;
	s2 =	simm.s32 @!p0 $0x1A108;
	s10 =	simm.s32 @!p0 $0x1A198;
	v7 =	vmov v8  }
0x77: {  	[tilespmem:s10], [sflag:$0x1] =	stream.indirect.gather @!p0 [hbm4b:s7+s28], $0x40, s2, s28, $0xb8;
	[tilespmem:$0x1A5E0] =	vst v63  }
0x78: {  	p1 =	por p3, p3;
	_ =	swait.ge @!p0 [sflag:s1], $0x80  }
0x79: {  	[sflag:s1] =	ssyncset.done @!p0 $0x0  }
0x7a: {  	[sflag:s1] =	ssyncadd.s32 @!p0 $0xFFFFFF80  }
0x7b: {  	v16 =	vld @!p0 [tilespmem:$0x1A198]  }
0x7c: {  	v8 =	vld @!p0 [tilespmem:$0x1A1B8]  }
0x7d: {  	v14 =	vld @!p0 [tilespmem:$0x1A158]  }
0x7e: {  	v15 =	vld @!p0 [tilespmem:$0x1A178]  }
0x7f: {  	v9 =	vld @!p0 [tilespmem:$0x1A188]  }
0x80: {  	v10 =	vld @!p0 [tilespmem:$0x1A168]  }
0x81: {  	v17 =	vld @!p0 [tilespmem:$0x1A118]  }
0x82: {  	v18 =	vld @!p0 [tilespmem:$0x1A138]  }
0x83: {  	v12 =	vld @!p0 [tilespmem:$0x1A128]  }
.Ltmp2:
0x84: {  	v11 =	vld @!p0 [tilespmem:$0x1A148];
	(pc) =	sbr.rel @p2 .LBB2_2-.Ltmp2, $4  }
0x85: {  	v13 =	vld @!p0 [tilespmem:$0x1A1D8]  }
0x86: {  	v19 =	vadd.f32 @!p0 v14, v17;
	v14 =	vld @!p0 [tilespmem:$0x1A1A8]  }
0x87: {  	v17 =	vadd.f32 @!p0 v15, v18;
	v15 =	vld @!p0 [tilespmem:$0x1A1C8]  }
0x88: {  	v18 =	vadd.f32 @!p0 v16, v19;
	v16 =	vld @!p0 [tilespmem:$0x1A1F8]  }
0x89: {  	v19 =	vld @!p0 [tilespmem:$0x1A208]  }
0x8a: {  	v9 =	vadd.f32 @!p0 v9, v11;
	v11 =	vld @!p0 [tilespmem:$0x1A1E8]  }
0x8b: {  	v10 =	vadd.f32 @!p0 v10, v12;
	v8 =	vadd.f32 @!p0 v8, v17  }
0x8c: {  	v12 =	vadd.f32 @!p0 v13, v18;
	v9 =	vadd.f32 @!p0 v15, v9  }
0x8d: {  	v10 =	vadd.f32 @!p0 v14, v10;
	v8 =	vadd.f32 @!p0 v16, v8  }
0x8e: {  	[tilespmem:$0x1A218] =	vst @!p0 v12;
	v9 =	vadd.f32 @!p0 v19, v9  }
0x8f: {  	v10 =	vadd.f32 @!p0 v11, v10;
	[tilespmem:$0x1A238] =	vst @!p0 v8  }
0x90: {  	[tilespmem:$0x1A248] =	vst @!p0 v9  }
0x91: {  	s0 =	simm.s32 @!p0 $0x1A218;
	[tilespmem:$0x1A228] =	vst @!p0 v10  }
0x92: {  	[spmem:s4] =	stream.linear.scatter @!p0 [tilespmem:s0], [sflag:$0x2], $0x40, $0x38;
	[tilespmem:$0x1A5E0] =	vst v63  }
0x93: {  	_ =	swait.ge @!p0 [sflag:s28], $0x40  }
0x94: {  	[sflag:s28] =	ssyncset.done @!p0 $0x0  }
0x95: {  	s0 =	simm.s32 @!p1 $0x1;
	[sflag:s28] =	ssyncadd.s32 @!p0 $0xFFFFFFC0;
	p0 =	por p1, p1  }
0x96: {  	[tilespmem:$0x1A108] =	vst @!p0 v7;
	s1 =	simm.s32 @!p0 $0x2;
	s2 =	simm.s32 @!p0 $0x1A108;
	s4 =	simm.s32 @!p0 $0x1A198  }
0x97: {  	[tilespmem:s4], [sflag:$0x1] =	stream.indirect.gather @!p0 [hbm4b:s7+s1], $0x40, s2, s1, $0xb8;
	[tilespmem:$0x1A5E0] =	vst v63  }
0x98: {  	_ =	swait.ge @!p0 [sflag:s0], $0x80  }
0x99: {  	[sflag:s0] =	ssyncset.done @!p0 $0x0  }
0x9a: {  	[sflag:s0] =	ssyncadd.s32 @!p0 $0xFFFFFF80  }
0x9b: {  	v7 =	vld @!p0 [tilespmem:$0x1A198]  }
0x9c: {  	v8 =	vld @!p0 [tilespmem:$0x1A1B8]  }
0x9d: {  	v9 =	vld @!p0 [tilespmem:$0x1A158]  }
0x9e: {  	v10 =	vld @!p0 [tilespmem:$0x1A178]  }
0x9f: {  	v11 =	vld @!p0 [tilespmem:$0x1A188]  }
0xa0: {  	v12 =	vld @!p0 [tilespmem:$0x1A168]  }
0xa1: {  	v13 =	vld @!p0 [tilespmem:$0x1A118]  }
0xa2: {  	v14 =	vld @!p0 [tilespmem:$0x1A138]  }
0xa3: {  	v15 =	vld @!p0 [tilespmem:$0x1A128]  }
0xa4: {  	v16 =	vld @!p0 [tilespmem:$0x1A148]  }
0xa5: {  	v17 =	vld @!p0 [tilespmem:$0x1A1D8]  }
0xa6: {  	v18 =	vld @!p0 [tilespmem:$0x1A1A8]  }
0xa7: {  	v19 =	vld @!p0 [tilespmem:$0x1A1C8]  }
0xa8: {  	v9 =	vadd.f32 @!p0 v9, v13;
	v13 =	vld @!p0 [tilespmem:$0x1A1F8]  }
0xa9: {  	v10 =	vadd.f32 @!p0 v10, v14;
	v14 =	vld @!p0 [tilespmem:$0x1A208]  }
0xaa: {  	v7 =	vadd.f32 @!p0 v7, v9;
	v9 =	vadd.f32 @!p0 v11, v16;
	v11 =	vld @!p0 [tilespmem:$0x1A1E8]  }
0xab: {  	v12 =	vadd.f32 @!p0 v12, v15;
	v8 =	vadd.f32 @!p0 v8, v10  }
0xac: {  	v7 =	vadd.f32 @!p0 v17, v7;
	v9 =	vadd.f32 @!p0 v19, v9  }
0xad: {  	v10 =	vadd.f32 @!p0 v18, v12;
	v8 =	vadd.f32 @!p0 v13, v8  }
0xae: {  	[tilespmem:$0x1A218] =	vst @!p0 v7;
	v7 =	vadd.f32 @!p0 v14, v9  }
0xaf: {  	v9 =	vadd.f32 @!p0 v11, v10;
	[tilespmem:$0x1A238] =	vst @!p0 v8  }
0xb0: {  	[tilespmem:$0x1A248] =	vst @!p0 v7  }
0xb1: {  	s2 =	simm.s32 @!p0 $0x1A218;
	s0 =	sadd.s32 $0x40, s29;
	[tilespmem:$0x1A228] =	vst @!p0 v9  }
0xb2: {  	[spmem:s0] =	stream.linear.scatter @!p0 [tilespmem:s2], [sflag:$0x2], $0x40, $0x38;
	[tilespmem:$0x1A5E0] =	vst v63  }
0xb3: {  	_ =	swait.ge @!p0 [sflag:s1], $0x40  }
0xb4: {  	[sflag:s1] =	ssyncset.done @!p0 $0x0  }
0xb5: {  	[sflag:s1] =	ssyncadd.s32 @!p0 $0xFFFFFFC0  }
0xb6: {  	[bflag:$0x0] =	sbarrier.arrive $0xFFFF  }
0xb7: {  	s31 =	simm.s32 $0x168B8;
	s30 =	rddreg [dreg:$0x2]  }
0xb8: {  	[tilespmem:s31], [sflag:$0x2] =	stream.linear.gather [spmem:s30], $0x3840, $0x38;
	[tilespmem:$0x1A5E0] =	vst v63  }
0xb9: {  	_ =	swait.ge [sflag:s13], $0x3840  }
0xba: {  	[sflag:s13] =	ssyncset.done $0x0  }
0xbb: {  	s28 =	simm.s32 $0x0;
	s0 =	simm.s32 $0x168D8;
	[sflag:s13] =	ssyncadd.s32 $0xFFFFC7C0  }
0xbc: {  	s4 =	simm.s32 $0x1;
	v8 =	vadd.s32 s28, v3;
	s2 =	simm.s32 $0x0;
	v7 =	vld [tilespmem:s0+$0xFFFFFFE0]  }
.LBB2_4:
0xbd: {  	p0 =	sne.s32 s4, $0xE0;
	_ =	sdelay $0x3  }
0xbe: {  	s1 =	sadd.s32 $0xE10, s2;
	[tilespmem:v8+s18+$0x0] =	vst.idx.msk $0xffff, v7  }
0xbf: {  	v8 =	vadd.s32 s1, v3;
	v7 =	vld [tilespmem:s0+$0xFFFFFFF0];
	_ =	sdelay $0x4  }
0xc0: {  	s1 =	sadd.s32 $0x1C20, s2;
	[tilespmem:v8+s18+$0x0] =	vst.idx.msk $0xffff, v7  }
0xc1: {  	v8 =	vadd.s32 s1, v3;
	v7 =	vld [tilespmem:s0+$0x0];
	_ =	sdelay $0x4  }
0xc2: {  	s1 =	sadd.s32 $0x2A30, s2;
	s2 =	smov.u32 s4;
	[tilespmem:v8+s18+$0x0] =	vst.idx.msk $0xffff, v7  }
0xc3: {  	v8 =	vadd.s32 s1, v3;
	v7 =	vld [tilespmem:s0+$0x10];
	_ =	sdelay $0x1  }
.Ltmp3:
0xc4: {  	(pc) =	sbr.rel @p0 .LBB2_4-.Ltmp3, $3  }
0xc5: {  	_ =	sdelay $0x1  }
0xc6: {  	s0 =	sadd.s32 $0x40, s0;
	[tilespmem:v8+s18+$0x0] =	vst.idx.msk $0xffff, v7  }
0xc7: {  	s4 =	sadd.s32 $0x1, s4;
	v8 =	vadd.s32 s2, v3;
	v7 =	vld [tilespmem:s0+$0xFFFFFFE0]  }
0xc8: {  	_ =	sdelay $0x3  }
0xc9: {  	s1 =	sadd.s32 $0xE10, s2;
	[tilespmem:v8+s18+$0x0] =	vst.idx.msk $0xffff, v7  }
0xca: {  	v8 =	vadd.s32 s1, v3;
	v7 =	vld [tilespmem:s0+$0xFFFFFFF0];
	_ =	sdelay $0x4  }
0xcb: {  	s30 =	sadd.s32 $0x1C20, s2;
	[tilespmem:v8+s18+$0x0] =	vst.idx.msk $0xffff, v7  }
0xcc: {  	v8 =	vadd.s32 s30, v3;
	v7 =	vld [tilespmem:s0+$0x0];
	_ =	sdelay $0x4  }
0xcd: {  	s31 =	sadd.s32 $0x2A30, s2;
	[tilespmem:v8+s18+$0x0] =	vst.idx.msk $0xffff, v7  }
0xce: {  	v8 =	vadd.s32 s31, v3;
	v7 =	vld [tilespmem:s0+$0x10]  }
.Ltmp4:
0xcf: {  	_ = 	snop;
	(pc) =	sbr.rel .LBB2_6-.Ltmp4, $2  }
0xd0: {  	_ =	sdelay $0x2  }
0xd1: {  	[tilespmem:v8+s18+$0x0] =	vst.idx.msk $0xffff, v7  }
.LBB2_18:
0xd2: {  	v9 =	vadd.f32 v9, v10;
	_ =	sdelay $0x1  }
0xd3: {  	v7 =	vadd.f32 v7, v9;
	_ =	sdelay $0x1  }
0xd4: {  	[tilespmem:v8+s25+$0x0] =	vst.idx.msk $0xffff, v7  }
.LBB2_19:
0xd5: {  	s0 =	smul.u32 $0x708, s29;
	s28 =	sadd.s32 $0x1, s28  }
0xd6: {  	s1 =	rddreg [dreg:$0x1];
	p0 =	sne.s32 s28, $0x20  }
.Ltmp5:
0xd7: {  	s31 =	simm.s32 $0x0;
	s0 =	sadd.s32 s1, s0;
	(pc) =	sbr.rel @!p0 .LBB2_20-.Ltmp5, $4  }
0xd8: {  	[hbm4b:s0+s31] =	stream.linear.scatter [tilespmem:s25], [sflag:$0x2], $0x3840, $0x38;
	[tilespmem:$0x1A5E0] =	vst v63  }
0xd9: {  	_ =	swait.ge [sflag:s13], $0x3840  }
0xda: {  	[sflag:s13] =	ssyncset.done $0x0  }
0xdb: {  	[sflag:s13] =	ssyncadd.s32 $0xFFFFC7C0  }
.LBB2_6:
0xdc: {  	s29 =	sadd.s32 s9, s28  }
0xdd: {  	s0 =	smul.u32 $0x71, s29  }
0xde: {  	s1 =	rddreg [dreg:$0x4]  }
0xdf: {  	s26 =	simm.s32 $0x0;
	s0 =	sadd.s32 s1, s0  }
0xe0: {  	[tilespmem:s26], [sflag:$0x2] =	stream.linear.gather [hbm4b:s0+s26], $0x388, $0x38;
	[tilespmem:$0x1A5E0] =	vst v63  }
0xe1: {  	_ =	swait.ge [sflag:s13], $0x388  }
0xe2: {  	[sflag:s13] =	ssyncset.done $0x0  }
0xe3: {  	s30 =	simm.s32 $0x1C4;
	[sflag:s13] =	ssyncadd.s32 $0xFFFFFC78  }
0xe4: {  	v7 =	vld [tilespmem:s30+$0xE2]  }
0xe5: {  	v8 =	vld [tilespmem:s30+$0x0];
	_ =	sdelay $0x3  }
0xe6: {  	v7 =	vsub.s32 $0x0, v7  }
0xe7: {  	vm1 =	veq.s32 v8, v7  }
0xe8: {  	v7 =	vsel vm1, $0x1, v1  }
0xe9: {  	(xrf0) =	vadd.scan.msk.s32 $0xffff, v7;
	_ =	sdelay $0x5  }
0xea: {  	v8, _, _ =	vpop (xrf0)  }
0xeb: {  	v7 =	vxor.u32 $0x80000000, v8  }
0xec: {  	(xrf0) =	vmax.scan.msk.u32 $0xffff, v7;
	v7 =	vimm.s32 $0x0  }
0xed: {  	v9 =	vld [tilespmem:s30+$0xFFFFFF1E];
	v8 =	vadd.s32 v8, v7  }
0xee: {  	v10 =	vld [tilespmem:s30+$0xFFFFFE3C];
	v8 =	vadd.s32 $0xFFFFFFFF, v8;
	_ =	sdelay $0x2  }
0xef: {  	v63 =	vor.u32 s26, v0  }
0xf0: {  	v12 =	vmul.u32 $0x129A, v63  }
0xf1: {  	v9 =	vadd.s32 $0x94D, v9;
	[tilespmem:v8+s19+$0x0] =	vst.idx.msk vm1, v10  }
0xf2: {  	v11, _, _ =	vpop (xrf0);
	v10 =	vadd.s32 v12, v10;
	[tilespmem:v8+s20+$0x0] =	vst.idx.msk vm1, v9  }
0xf3: {  	(v2sf) =	vpush v11, $0xF;
	v9 =	vadd.s32 v12, v9;
	[tilespmem:v8+s21+$0x0] =	vst.idx.msk vm1, v10  }
0xf4: {  	[tilespmem:v8+s22+$0x0] =	vst.idx.msk vm1, v9  }
0xf5: {  	s0 =	simm.s32 $0x1D4;
	[tilespmem:v8+s23+$0x0] =	vst.idx.msk vm1, v63  }
0xf6: {  	v8 =	vld [tilespmem:s0+$0xE2]  }
0xf7: {  	v9 =	vld [tilespmem:s0+$0x0];
	_ =	sdelay $0x3  }
0xf8: {  	v8 =	vsub.s32 $0x0, v8  }
0xf9: {  	vm1 =	veq.s32 v9, v8  }
0xfa: {  	v8 =	vsel vm1, $0x1, v1  }
0xfb: {  	(xrf0) =	vadd.scan.msk.s32 $0xffff, v8;
	_ =	sdelay $0x3  }
0xfc: {  	s31 =	spop (v2sf)  }
0xfd: {  	s2 =	simm.s32 $0x10;
	s4 =	simm.s32 $0x20;
	s1 =	sxor.u32 $0x80000000, s31  }
.LBB2_7:
0xfe: {  	p0 =	sne.s32 s4, $0xD0;
	v8, _, _ =	vpop (xrf0);
	v7 =	vadd.s32 s1, v7;
	s1 =	smov.u32 s4;
	s4 =	sadd.s32 $0x10, s4  }
0xff: {  	v9 =	vxor.u32 $0x80000000, v8;
	v8 =	vadd.s32 v8, v7;
	v10 =	vld [tilespmem:s0+$0xFFFFFF1E]  }
0x100: {  	v8 =	vadd.s32 $0xFFFFFFFF, v8;
	v11 =	vld [tilespmem:s0+$0xFFFFFE3C];
	(xrf0) =	vmax.scan.msk.u32 $0xffff, v9;
	_ =	sdelay $0x2  }
0x101: {  	v9 =	vor.u32 s2, v0;
	s2 =	smov.u32 s1  }
0x102: {  	v12 =	vmul.u32 $0x129A, v9  }
0x103: {  	v10 =	vadd.s32 $0x94D, v10;
	[tilespmem:v8+s19+$0x0] =	vst.idx.msk vm1, v11  }
0x104: {  	v11 =	vadd.s32 v12, v11;
	[tilespmem:v8+s20+$0x0] =	vst.idx.msk vm1, v10;
	v13, _, _ =	vpop (xrf0)  }
0x105: {  	v10 =	vadd.s32 v12, v10;
	[tilespmem:v8+s21+$0x0] =	vst.idx.msk vm1, v11;
	(v2sf) =	vpush v13, $0xF  }
0x106: {  	[tilespmem:v8+s22+$0x0] =	vst.idx.msk vm1, v10  }
0x107: {  	s0 =	sadd.s32 $0x10, s0;
	[tilespmem:v8+s23+$0x0] =	vst.idx.msk vm1, v9  }
0x108: {  	v8 =	vld [tilespmem:s0+$0xE2]  }
0x109: {  	v9 =	vld [tilespmem:s0+$0x0];
	_ =	sdelay $0x3  }
0x10a: {  	v8 =	vsub.s32 $0x0, v8  }
0x10b: {  	vm1 =	veq.s32 v9, v8  }
0x10c: {  	v8 =	vsel vm1, $0x1, v1  }
0x10d: {  	(xrf0) =	vadd.scan.msk.s32 $0xffff, v8  }
.Ltmp6:
0x10e: {  	(pc) =	sbr.rel @p0 .LBB2_7-.Ltmp6, $3  }
0x10f: {  	_ =	sdelay $0x1  }
0x110: {  	s1 =	spop (v2sf)  }
0x111: {  	s1 =	sxor.u32 $0x80000000, s1  }
0x112: {  	v8, _, _ =	vpop (xrf0);
	v7 =	vadd.s32 s1, v7  }
0x113: {  	v10 =	vld [tilespmem:s0+$0xFFFFFF1E];
	v9 =	vadd.s32 v8, v7  }
0x114: {  	v11 =	vld [tilespmem:s0+$0xFFFFFE3C];
	v9 =	vadd.s32 $0xFFFFFFFF, v9;
	_ =	sdelay $0x2  }
0x115: {  	v12 =	vor.u32 s2, v0  }
0x116: {  	v13 =	vmul.u32 $0x129A, v12  }
0x117: {  	v10 =	vadd.s32 $0x94D, v10;
	[tilespmem:v9+s19+$0x0] =	vst.idx.msk vm1, v11  }
0x118: {  	v11 =	vadd.s32 v13, v11;
	[tilespmem:v9+s20+$0x0] =	vst.idx.msk vm1, v10  }
0x119: {  	v10 =	vadd.s32 v13, v10;
	[tilespmem:v9+s21+$0x0] =	vst.idx.msk vm1, v11  }
0x11a: {  	[tilespmem:v9+s22+$0x0] =	vst.idx.msk vm1, v10  }
0x11b: {  	[tilespmem:v9+s23+$0x0] =	vst.idx.msk vm1, v12  }
0x11c: {  	v9 =	vld [tilespmem:$0x377]  }
0x11d: {  	v10 =	vld [tilespmem:$0x295];
	_ =	sdelay $0x3  }
0x11e: {  	v9 =	vsub.s32 $0x0, v9  }
0x11f: {  	vm1 =	veq.s32 v10, v9  }
0x120: {  	v8 =	vxor.u32 $0x80000000, v8;
	vm1 =	vmand vm1, vm0  }
0x121: {  	(xrf0) =	vmax.scan.msk.u32 $0xffff, v8;
	v8 =	vsel vm1, $0x1, v1  }
0x122: {  	(xrf0) =	vadd.scan.msk.s32 $0xffff, v8;
	_ =	sdelay $0x4  }
0x123: {  	v8, _, _ =	vpop (xrf0)  }
0x124: {  	v60, _, _ =	vpop (xrf0)  }
0x125: {  	v61 =	vxor.u32 $0x80000000, v60  }
0x126: {  	(xrf0) =	vmax.scan.msk.u32 $0xffff, v61;
	_ =	sdelay $0x5  }
0x127: {  	(v2sf) =	vpush v8, $0xF;
	v8, _, _ =	vpop (xrf0)  }
0x128: {  	(v2sf) =	vpush v8, $0xF;
	_ =	sdelay $0xd  }
0x129: {  	s15 =	spop (v2sf)  }
0x12a: {  	s0 =	sxor.u32 $0x80000000, s15;
	s17 =	spop (v2sf)  }
0x12b: {  	v7 =	vadd.s32 s0, v7;
	s26 =	sxor.u32 $0x80000000, s17  }
0x12c: {  	v8 =	vadd.s32 s26, v7  }
0x12d: {  	v8 =	vxor.u32 $0x80000000, v8  }
0x12e: {  	(xrf0) =	vmax.scan.msk.u32 $0xffff, v8;
	_ =	sdelay $0x5  }
0x12f: {  	v8, _, _ =	vpop (xrf0)  }
0x130: {  	(v2sf) =	vpush v8, $0xF;
	_ =	sdelay $0xe  }
0x131: {  	s2 =	spop (v2sf)  }
0x132: {  	s30 =	sadd.s32 $0x80000007, s2  }
0x133: {  	s31 =	sand.u32 $0x7, s30  }
0x134: {  	v62 =	vld [tilespmem:$0x1B3];
	v7 =	vadd.s32 v60, v7;
	s4 =	sshra.s32 s30, $0x1F;
	p0 =	slt.s32 s30, $0x1;
	p1 =	sne.s32 s31, $0x0  }
0x135: {  	v7 =	vadd.s32 $0xFFFFFFFF, v7;
	v8 =	vld [tilespmem:$0xD1];
	s4 =	sshrl.u32 s4, $0x1D;
	p0 =	por !p0, !p1  }
0x136: {  	s12 =	simm.s32 $0x1;
	s0 =	sadd.s32 s4, s30;
	p0 =	por !p0, !p0  }
0x137: {  	s0 =	sshra.s32 s0, $0x3;
	s12 =	simm.s32 @!p0 $0x0  }
0x138: {  	s0 =	ssub.s32 s0, s12  }
0x139: {  	s10 =	simm.s32 $0x388;
	p0 =	sgt.s32 s0, $0x0  }
.Ltmp7:
0x13a: {  	s1 =	simm.s32 $0x478;
	v63 =	vadd.s32 $0x94D, v62;
	[tilespmem:v7+s10+$0x0] =	vst.idx.msk vm1, v8;
	(pc) =	sbr.rel @!p0 .LBB2_12-.Ltmp7, $4  }
0x13b: {  	s11 =	simm.s32 $0x568;
	v8 =	vadd.s32 v4, v8;
	[tilespmem:v7+s1+$0x0] =	vst.idx.msk vm1, v63  }
0x13c: {  	[tilespmem:v7+s11+$0x0] =	vst.idx.msk vm1, v8;
	v8 =	vadd.s32 v5, v62;
	s4 =	simm.s32 $0x658  }
0x13d: {  	[tilespmem:v7+s4+$0x0] =	vst.idx.msk vm1, v8  }
0x13e: {  	[tilespmem:v7+s23+$0x0] =	vst.idx.msk vm1, v6  }
0x13f: {  	s14 =	simm.s32 $0xBC38;
	s12 =	simm.s32 $0x8038;
	s15 =	simm.s32 $0x4438  }
0x140: {  	s17 =	simm.s32 $0x838;
	p1 =	seq.s32 s0, $0x1;
	s30 =	sadd.s32 $0xFFFFFFFF, s0  }
0x141: {  	[tilespmem:s17], [sflag:$0x1] =	stream.indirect.gather [hbm4b:s6+s24], $0x40, s10, s24, $0xb8;
	[tilespmem:$0x1A5E0] =	vst v63  }
.Ltmp8:
0x142: {  	s31 =	simm.s32 $0x4638;
	s26 =	simm.s32 $0x480;
	(pc) =	sbr.rel @p1 .LBB2_11-.Ltmp8, $4  }
0x143: {  	[tilespmem:s15], [sflag:$0x1] =	stream.indirect.gather [hbm4b:s6+s24], $0x40, s1, s24, $0xb8;
	[tilespmem:$0x1A5E0] =	vst v63  }
0x144: {  	s17 =	simm.s32 $0x660;
	s10 =	simm.s32 $0xBE38;
	s15 =	simm.s32 $0xA38  }
0x145: {  	[tilespmem:s12], [sflag:$0x1] =	stream.indirect.gather [hbm4b:s7+s24], $0x40, s11, s24, $0xb8;
	[tilespmem:$0x1A5E0] =	vst v63  }
0x146: {  	s1 =	simm.s32 $0x570;
	s12 =	simm.s32 $0x8238;
	s11 =	simm.s32 $0x390  }
.LBB2_10:
0x147: {  	[tilespmem:s14], [sflag:$0x1] =	stream.indirect.gather [hbm4b:s7+s24], $0x40, s4, s24, $0xb8;
	[tilespmem:$0x1A5E0] =	vst v63  }
0x148: {  	s3 =	smov.u32 s31;
	s4 =	smov.u32 s17;
	s14 =	smov.u32 s10  }
0x149: {  	p1 =	seq.s32 s30, $0x1;
	s30 =	sadd.s32 $0xFFFFFFFF, s30;
	s5 =	smov.u32 s12  }
0x14a: {  	[tilespmem:s15], [sflag:$0x1] =	stream.indirect.gather [hbm4b:s6+s24], $0x40, s11, s24, $0xb8;
	[tilespmem:$0x1A5E0] =	vst v63  }
.Ltmp9:
0x14b: {  	s31 =	sadd.s32 $0x200, s31;
	s15 =	sadd.s32 $0x200, s15;
	(pc) =	sbr.rel @!p1 .LBB2_10-.Ltmp9, $4  }
0x14c: {  	[tilespmem:s3], [sflag:$0x1] =	stream.indirect.gather [hbm4b:s6+s24], $0x40, s26, s24, $0xb8;
	[tilespmem:$0x1A5E0] =	vst v63  }
0x14d: {  	s17 =	sadd.s32 $0x8, s17;
	s10 =	sadd.s32 $0x200, s10;
	s12 =	sadd.s32 $0x200, s12  }
0x14e: {  	[tilespmem:s5], [sflag:$0x1] =	stream.indirect.gather [hbm4b:s7+s24], $0x40, s1, s24, $0xb8;
	[tilespmem:$0x1A5E0] =	vst v63  }
0x14f: {  	s11 =	sadd.s32 $0x8, s11;
	s26 =	sadd.s32 $0x8, s26;
	s1 =	sadd.s32 $0x8, s1  }
.LBB2_11:
0x150: {  	[tilespmem:s14], [sflag:$0x1] =	stream.indirect.gather [hbm4b:s7+s24], $0x40, s4, s24, $0xb8;
	[tilespmem:$0x1A5E0] =	vst v63  }
.LBB2_12:
0x151: {  	s1 =	simm.s32 $0x0  }
0x152: {  	v7 =	vld [tilespmem:s1+$0x130A8]  }
0x153: {  	v8 =	vld [tilespmem:s1+$0x13078]  }
0x154: {  	v9 =	vld [tilespmem:s1+$0x13088]  }
0x155: {  	s4 =	sxor.u32 $0x80000000, s2;
	s2 =	simm.s32 $0x100;
	v10 =	vld [tilespmem:s1+$0x13098]  }
.LBB2_13:
0x156: {  	p1 =	seq.s32 s2, $0xE000  }
.Ltmp10:
0x157: {  	s3 =	sshra.s32 s2, $0x2;
	s2 =	sadd.s32 $0x100, s2;
	[tilespmem:s1+$0xF868] =	vst v7;
	(pc) =	sbr.rel @!p1 .LBB2_13-.Ltmp10, $4  }
0x158: {  	v7 =	vld [tilespmem:s3+$0x130A8];
	[tilespmem:s1+$0xF838] =	vst v8  }
0x159: {  	v8 =	vld [tilespmem:s3+$0x13078];
	[tilespmem:s1+$0xF848] =	vst v9  }
0x15a: {  	v9 =	vld [tilespmem:s3+$0x13088];
	[tilespmem:s1+$0xF858] =	vst v10;
	s1 =	smov.u32 s3  }
0x15b: {  	v10 =	vld [tilespmem:s1+$0x13098]  }
.Ltmp11:
0x15c: {  	_ = 	snop;
	(pc) =	sbr.rel @!p0 .LBB2_15-.Ltmp11, $4  }
0x15d: {  	[tilespmem:s1+$0xF868] =	vst v7  }
0x15e: {  	[tilespmem:s1+$0xF838] =	vst v8  }
0x15f: {  	[tilespmem:s1+$0xF848] =	vst v9  }
0x160: {  	[tilespmem:s1+$0xF858] =	vst v10  }
0x161: {  	_ =	swait.ge [sflag:s16], $0x200  }
0x162: {  	[sflag:s16] =	ssyncset.done $0x0  }
0x163: {  	[sflag:s16] =	ssyncadd.s32 $0xFFFFFE00  }
0x164: {  	_ =	swait.ge [sflag:s16], $0x200  }
0x165: {  	[sflag:s16] =	ssyncset.done $0x0  }
0x166: {  	p0 =	seq.s32 s0, $0x1;
	[sflag:s16] =	ssyncadd.s32 $0xFFFFFE00  }
.Ltmp12:
0x167: {  	_ =	swait.ge [sflag:s16], $0x200;
	(pc) =	sbr.rel @p0 .LBB2_24-.Ltmp12, $4  }
0x168: {  	[sflag:s16] =	ssyncset.done $0x0  }
0x169: {  	[sflag:s16] =	ssyncadd.s32 $0xFFFFFE00  }
0x16a: {  	_ =	swait.ge [sflag:s16], $0x200  }
0x16b: {  	s0 =	sadd.s32 $0xFFFFFFFF, s0;
	[sflag:s16] =	ssyncset.done $0x0  }
.LBB2_23:
0x16c: {  	p0 =	seq.s32 s0, $0x1;
	s0 =	sadd.s32 $0xFFFFFFFF, s0;
	[sflag:s16] =	ssyncadd.s32 $0xFFFFFE00  }
0x16d: {  	_ =	swait.ge [sflag:s16], $0x200  }
0x16e: {  	[sflag:s16] =	ssyncset.done $0x0  }
0x16f: {  	[sflag:s16] =	ssyncadd.s32 $0xFFFFFE00  }
0x170: {  	_ =	swait.ge [sflag:s16], $0x200  }
0x171: {  	[sflag:s16] =	ssyncset.done $0x0  }
0x172: {  	[sflag:s16] =	ssyncadd.s32 $0xFFFFFE00  }
.Ltmp13:
0x173: {  	_ =	swait.ge [sflag:s16], $0x200;
	(pc) =	sbr.rel @!p0 .LBB2_23-.Ltmp13, $4  }
0x174: {  	[sflag:s16] =	ssyncset.done $0x0  }
0x175: {  	[sflag:s16] =	ssyncadd.s32 $0xFFFFFE00  }
0x176: {  	_ =	swait.ge [sflag:s16], $0x200  }
0x177: {  	[sflag:s16] =	ssyncset.done $0x0  }
.LBB2_24:
0x178: {  	[sflag:s16] =	ssyncadd.s32 $0xFFFFFE00  }
.LBB2_15:
0x179: {  	p0 =	sgt.s32 s4, $0x0  }
.Ltmp14:
0x17a: {  	_ = 	snop;
	(pc) =	sbr.rel @!p0 .LBB2_19-.Ltmp14, $1  }
0x17b: {  	_ =	sdelay $0x3  }
0x17c: {  	s30 =	simm.s32 $0x748  }
0x17d: {  	v7 =	vld [tilespmem:s30+$0x0]  }
0x17e: {  	s31 =	simm.s32 $0x4458  }
0x17f: {  	s14 =	simm.s32 $0x858;
	v8 =	vld [tilespmem:s31+$0xFFFFFFE0]  }
0x180: {  	v9 =	vld [tilespmem:s14+$0xFFFFFFE0]  }
0x181: {  	s0 =	simm.s32 $0x8058  }
0x182: {  	v10 =	vld [tilespmem:s0+$0xFFFFFFE0];
	(v2sf) =	vpush v7, $0x0  }
0x183: {  	s2 =	simm.s32 $0xBC58  }
0x184: {  	v11 =	vld [tilespmem:s2+$0xFFFFFFE0];
	v7 =	vbroadcast v7, $0x0  }
0x185: {  	v8 =	vadd.f32 v8, v9  }
0x186: {  	v7 =	vadd.s32 v3, v7  }
0x187: {  	v8 =	vadd.f32 v10, v8;
	_ =	sdelay $0x1  }
0x188: {  	v8 =	vadd.f32 v11, v8;
	_ =	sdelay $0x1  }
0x189: {  	[tilespmem:v7+s25+$0x0] =	vst.idx.msk $0xffff, v8  }
0x18a: {  	v7 =	vld [tilespmem:s14+$0xFFFFFFF0]  }
0x18b: {  	v8 =	vld [tilespmem:s31+$0xFFFFFFF0];
	_ =	sdelay $0x1  }
0x18c: {  	v9 =	vld [tilespmem:s0+$0xFFFFFFF0];
	_ =	sdelay $0x1  }
0x18d: {  	v10 =	vld [tilespmem:s2+$0xFFFFFFF0];
	s1 =	spop (v2sf)  }
0x18e: {  	v7 =	vadd.f32 v8, v7;
	s3 =	sadd.s32 $0xE10, s1  }
0x18f: {  	v8 =	vadd.s32 s3, v3  }
0x190: {  	v7 =	vadd.f32 v9, v7;
	_ =	sdelay $0x1  }
0x191: {  	v7 =	vadd.f32 v10, v7;
	_ =	sdelay $0x1  }
0x192: {  	[tilespmem:v8+s25+$0x0] =	vst.idx.msk $0xffff, v7  }
0x193: {  	v7 =	vld [tilespmem:s14+$0x0]  }
0x194: {  	v8 =	vld [tilespmem:s31+$0x0];
	_ =	sdelay $0x1  }
0x195: {  	v9 =	vld [tilespmem:s0+$0x0];
	_ =	sdelay $0x1  }
0x196: {  	v10 =	vld [tilespmem:s2+$0x0]  }
0x197: {  	s26 =	sadd.s32 $0x1C20, s1;
	v7 =	vadd.f32 v8, v7  }
0x198: {  	v8 =	vadd.s32 s26, v3  }
0x199: {  	v7 =	vadd.f32 v9, v7;
	_ =	sdelay $0x1  }
0x19a: {  	v7 =	vadd.f32 v10, v7;
	_ =	sdelay $0x1  }
0x19b: {  	[tilespmem:v8+s25+$0x0] =	vst.idx.msk $0xffff, v7  }
0x19c: {  	v8 =	vld [tilespmem:s14+$0x10]  }
0x19d: {  	v10 =	vld [tilespmem:s31+$0x10]  }
0x19e: {  	p0 =	sne.s32 s4, $0x1  }
.Ltmp15:
0x19f: {  	v9 =	vld [tilespmem:s0+$0x10];
	(pc) =	sbr.rel @!p0 .LBB2_18-.Ltmp15, $4  }
0x1a0: {  	_ = 	snop  }
0x1a1: {  	v7 =	vld [tilespmem:s2+$0x10]  }
0x1a2: {  	s1 =	sadd.s32 $0x2A30, s1;
	v10 =	vadd.f32 v10, v8  }
0x1a3: {  	s4 =	sadd.s32 $0xFFFFFFFF, s4;
	s14 =	simm.s32 $0xBC98;
	s2 =	simm.s32 $0x898;
	v8 =	vadd.s32 s1, v3  }
.LBB2_17:
0x1a4: {  	v9 =	vadd.f32 v9, v10;
	s30 =	sadd.s32 $0x1, s30;
	s31 =	sadd.s32 $0x40, s31;
	s0 =	sadd.s32 $0x40, s0  }
0x1a5: {  	p0 =	sne.s32 s4, $0x1;
	s4 =	sadd.s32 $0xFFFFFFFF, s4  }
0x1a6: {  	v7 =	vadd.f32 v7, v9;
	_ =	sdelay $0x1  }
0x1a7: {  	[tilespmem:v8+s25+$0x0] =	vst.idx.msk $0xffff, v7  }
0x1a8: {  	v7 =	vld [tilespmem:s30+$0x0];
	_ =	sdelay $0x1  }
0x1a9: {  	v8 =	vld [tilespmem:s31+$0xFFFFFFE0]  }
0x1aa: {  	v9 =	vld [tilespmem:s2+$0xFFFFFFE0];
	_ =	sdelay $0x1  }
0x1ab: {  	v10 =	vld [tilespmem:s0+$0xFFFFFFE0];
	v11 =	vbroadcast v7, $0x0;
	(v2sf) =	vpush v7, $0x0;
	_ =	sdelay $0x1  }
0x1ac: {  	v7 =	vld [tilespmem:s14+$0xFFFFFFE0]  }
0x1ad: {  	v8 =	vadd.f32 v8, v9  }
0x1ae: {  	v9 =	vadd.s32 v3, v11  }
0x1af: {  	v8 =	vadd.f32 v10, v8;
	_ =	sdelay $0x1  }
0x1b0: {  	v7 =	vadd.f32 v7, v8;
	_ =	sdelay $0x1  }
0x1b1: {  	[tilespmem:v9+s25+$0x0] =	vst.idx.msk $0xffff, v7  }
0x1b2: {  	v7 =	vld [tilespmem:s2+$0xFFFFFFF0]  }
0x1b3: {  	v8 =	vld [tilespmem:s31+$0xFFFFFFF0];
	_ =	sdelay $0x1  }
0x1b4: {  	v9 =	vld [tilespmem:s0+$0xFFFFFFF0];
	_ =	sdelay $0x1  }
0x1b5: {  	v10 =	vld [tilespmem:s14+$0xFFFFFFF0];
	s1 =	spop (v2sf)  }
0x1b6: {  	v7 =	vadd.f32 v8, v7;
	s3 =	sadd.s32 $0xE10, s1;
	s5 =	sadd.s32 $0x1C20, s1;
	s1 =	sadd.s32 $0x2A30, s1  }
0x1b7: {  	v8 =	vadd.s32 s3, v3  }
0x1b8: {  	v7 =	vadd.f32 v9, v7;
	_ =	sdelay $0x1  }
0x1b9: {  	v7 =	vadd.f32 v10, v7;
	_ =	sdelay $0x1  }
0x1ba: {  	[tilespmem:v8+s25+$0x0] =	vst.idx.msk $0xffff, v7  }
0x1bb: {  	v7 =	vld [tilespmem:s2+$0x0]  }
0x1bc: {  	v8 =	vld [tilespmem:s31+$0x0];
	_ =	sdelay $0x1  }
0x1bd: {  	v9 =	vld [tilespmem:s0+$0x0];
	_ =	sdelay $0x1  }
0x1be: {  	v10 =	vld [tilespmem:s14+$0x0]  }
0x1bf: {  	v7 =	vadd.f32 v8, v7  }
0x1c0: {  	v8 =	vadd.s32 s5, v3  }
0x1c1: {  	v7 =	vadd.f32 v9, v7;
	_ =	sdelay $0x1  }
0x1c2: {  	v7 =	vadd.f32 v10, v7;
	_ =	sdelay $0x1  }
0x1c3: {  	[tilespmem:v8+s25+$0x0] =	vst.idx.msk $0xffff, v7  }
0x1c4: {  	v8 =	vld [tilespmem:s2+$0x10]  }
0x1c5: {  	v10 =	vld [tilespmem:s31+$0x10]  }
0x1c6: {  	v9 =	vld [tilespmem:s0+$0x10]  }
.Ltmp16:
0x1c7: {  	v7 =	vld [tilespmem:s14+$0x10];
	(pc) =	sbr.rel @p0 .LBB2_17-.Ltmp16, $3  }
0x1c8: {  	_ =	sdelay $0x1  }
0x1c9: {  	v10 =	vadd.f32 v10, v8;
	v8 =	vadd.s32 s1, v3  }
0x1ca: {  	s2 =	sadd.s32 $0x40, s2;
	s14 =	sadd.s32 $0x40, s14  }
.Ltmp17:
0x1cb: {  	_ = 	snop;
	(pc) =	sbr.rel .LBB2_18-.Ltmp17, $1  }
0x1cc: {  	_ =	sdelay $0x3  }
.LBB2_21:
0x1cd: {  	_ =	sfence.sel $0x180000  }
0x1ce: {  	[bflag:$0x0] =	sbarrier.arrive $0xFFFF  }
0x1cf: {  	_ =	strace $0x90000047  }
0x1d0: {  	s0 =	stileid.u32;
	[bflag:$0x2] =	sbarrier.arrive $0xFFFF  }
0x1d1: {  	p0 =	sne.s32 s0, $0x0;
	s0 =	rddreg [dreg:$0x3]  }
0x1d2: {  	s0 =	sadd.s32 @!p0 $0x100000, s0  }
0x1d3: {  	[sflag:s0] =	ssyncadd.tile.s32 @!p0 $0x1;
	_ =	shalt  }
.Lfunc_end2:
_tile_overlayer_lowered:
.L_overlay_start_2:
0x1d4: {  	(tag) =	ssettag $0x2  }
0x1d5: {  	s0 =	rddreg [dreg:$0x0];
	s2 =	stileid.u32  }
0x1d6: {  	s1 =	rddreg [dreg:$0x1];
	p0 =	sne.s32 s2, $0x0  }
0x1d7: {  	s3 =	rddreg [dreg:$0x2];
	[bflag:$0x3] =	sbarrier.arrive $0xFFFF;
	s2 =	simm.s32 @!p0 $0x1C02  }
0x1d8: {  	[timem:s3], [sflag:s2] =	dma.local @!p0 [hbm:s0], s1  }
0x1d9: {  	s0 =	simm.s32 @!p0 $0x2  }
0x1da: {  	_ =	swait.ge @!p0 [sflag:s0], s1  }
0x1db: {  	s1 =	ssub.s32 @!p0 $0x0, s1;
	[sflag:s0] =	ssyncset.done @!p0 $0x0  }
0x1dc: {  	[sflag:s0] =	ssyncadd.s32 @!p0 s1  }
0x1dd: {  	[bflag:$0x3] =	sbarrier.arrive $0xFFFF  }
0x1de: {  	_ =	shalt  }

// kernel: sparse-core-data-format-call.1.cloned.1.call-start
scs
called_computation.1_lowered:
.L_overlay_start_0:
0x0: {  	s2 =	sld [smem:$0x3FD9]  }
0x1: {  	s3 =	sld [smem:$0x3FFE];
	_ =	sdelay $0x1  }
0x2: {  	s1 =	srdreg.scid  }
0x3: {  	s0 =	sand.u32 $0x1, s1  }
0x4: {  	s18 =	sshll.u32 s0, $0xA;
	s2 =	sadd.s32 s3, s2  }
0x5: {  	s2 =	sadd.s32 s2, s18  }
0x6: {  	[smem:$0x3FC4] =	sst s2  }
0x7: {  	_ = 	snop  }
0x8: {  	s2 =	sld [smem:$0x3FD0];
	(tm) =	ssettm $0x1  }
0x9: {  	s19 =	sld [smem:$0x3FFB];
	_ =	sdelay $0x3  }
0xa: {  	_ =	strace s19  }
0xb: {  	s3 =	sld [smem:$0x3FFC];
	_ =	sdelay $0x3  }
0xc: {  	_ =	strace s3  }
0xd: {  	s3 =	sld [smem:$0x3FFD];
	_ =	sdelay $0x3  }
0xe: {  	_ =	strace s3  }
0xf: {  	_ =	strace $0x8FFFFFFF  }
0x10: {  	s20 =	sld [smem:$0x3FDB];
	_ =	sdelay $0x1  }
0x11: {  	s4 =	simm.s32 $_scs_section_size  }
0x12: {  	s5 =	simm.s32 $_size__tile_overlayer_lowered;
	s6 =	simm.s32 $_tile_overlayer_lowered  }
0x13: {  	s23 =	simm.s32 $0x1BFF;
	s22 =	sshll.u32 s6, $0x1;
	s3 =	sadd.s32 s4, s20  }
0x14: {  	s7 =	simm.s32 $0x0;
	s21 =	sshll.u32 s5, $0x1;
	s5 =	sadd.s32 s22, s3  }
0x15: {  	[timem:s7], [sflag:s23] =	dma.local [hbm:s5], s21  }
0x16: {  	_ =	swait.ge [sflag:s23], s21  }
0x17: {  	s4 =	ssub.s32 $0x0, s21;
	[sflag:s23] =	ssyncset.done $0x0  }
0x18: {  	[sflag:s23] =	ssyncadd.s32 s4;
	_ =	sdelay $0x1  }
0x19: {  	s24 =	simm.s32 $0x1B8B  }
0x1a: {  	_ =	swait.ge [sflag:s24], $0x1  }
0x1b: {  	[sflag:s24] =	ssyncset.done $0x0  }
0x1c: {  	s26 =	simm.s32 $0x1B8E;
	s25 =	sld [smem:$0x3FFE];
	[sflag:s24] =	ssyncadd.s32 $0xFFFFFFFF  }
0x1d: {  	s27 =	simm.s32 $execute0_lowered;
	[smem:$0x3FD2] =	sst s26  }
0x1e: {  	s5 =	sshll.u32 s27, $0x1;
	_ =	strace $0x80000049;
	[dreg:$0x1] =	wrdreg $0xFFFFFFFF  }
0x1f: {  	s28 =	simm.s32 $_size_execute0_lowered;
	s3 =	sadd.s32 s3, s5;
	[dreg:$0x0] =	wrdreg $0x0  }
0x20: {  	s5 =	sshll.u32 s28, $0x1;
	[dreg:$0x2] =	wrdreg s3  }
0x21: {  	[dreg:$0x3] =	wrdreg s5  }
0x22: {  	[dreg:$0x4] =	wrdreg $0xC0  }
0x23: {  	_ =	task [dreg:s7], $0x5FFFF  }
0x24: {  	[dreg:$0x1] =	wrdreg $0xFFFFFFFF  }
0x25: {  	[dreg:$0x0] =	wrdreg $0x60  }
0x26: {  	[dreg:$0x2] =	wrdreg s25  }
0x27: {  	[dreg:$0x3] =	wrdreg s2  }
0x28: {  	[dreg:$0x4] =	wrdreg $0x9  }
0x29: {  	_ =	task.clear_ibuf [dreg:s7], $0x5FFFF;
	_ =	strace $0x90000049  }
0x2a: {  	s29 =	simm.s32 $0x9;
	_ =	strace $0x8000004B  }
0x2b: {  	_ =	swait.ge [sflag:s29], $0x1  }
0x2c: {  	[sflag:s29] =	ssyncadd.s32 $0xFFFFFFFF  }
0x2d: {  	_ =	strace $0x9000004B  }
0x2e: {  	_ =	sfence  }
0x2f: {  	s30 =	sld [smem:$0x0];
	_ =	sdelay $0x2  }
0x30: {  	s31 =	sshll.u32 s1, $0xD;
	s1 =	sshrl.u32 s1, $0x2  }
0x31: {  	s3 =	sand.u32 $0x4000, s31;
	s1 =	sadd.s32 s1, s30  }
0x32: {  	s0 =	sor.u32 s3, s0;
	s1 =	sshll.u32 s1, $0x11  }
0x33: {  	s0 =	sor.u32 s1, s0  }
0x34: {  	s0 =	sadd.s32 $0x8F2B, s0  }
0x35: {  	[sflag:s0] =	ssyncadd.remote.s32 $0x1  }
0x36: {  	_ =	sfence.sel $0xFFFF  }
0x37: {  	[dreg:$0x0] =	wrdreg $0xFFFFFFFF;
	(pc) =	sbr.abs _section_cstart, $3  }
0x38: {  	[dreg:$0x1] =	wrdreg $0xFFFFFFFF  }
0x39: {  	_ =	task.clear_ibuf [dreg:s7], $0x2FFFF;
	_ =	strace $0x9FFFFFFF  }
0x3a: {  	(tm) =	ssettm $0x7FFFFFFF  }
0x3b: {  	_ =	shalt  }
tec
execute0_lowered:
.L_overlay_start_1:
0x0: {  	(tag) =	ssettag $0x1  }
0x1: {  	s0 =	stileid.u32  }
0x2: {  	s2 =	srdreg.scid;
	s7 =	rddreg [dreg:$0x0]  }
0x3: {  	s6 =	simm.s32 $0x1;
	s31 =	simm.s32 $0x2;
	s16 =	simm.s32 $0x0  }
0x4: {  	s9 =	simm.s32 $0x2000;
	s15 =	simm.s32 $0x0;
	s10 =	simm.s32 $0x0  }
0x5: {  	s11 =	simm.s32 $0x0;
	s14 =	simm.s32 $0x0;
	s1 =	sshll.u32 s0, $0x7  }
0x6: {  	s3 =	sshll.u32 s0, $0x4;
	s2 =	sshll.u32 s2, $0x8;
	s1 =	sand.u32 $0x380, s1  }
0x7: {  	s7 =	sadd.s32 $0x1400, s7;
	s2 =	sor.u32 s3, s2;
	s5 =	ssub.s32 $0x400, s1  }
0x8: {  	s3 =	rddreg [dreg:$0x1];
	s4 =	sand.u32 $0x180, s2;
	s29 =	sand.u32 $0x380, s5  }
0x9: {  	s30 =	ssub.s32 $0x3800, s4;
	s5 =	sshrl.u32 s5, $0xA;
	p0 =	sne.s32 s29, $0x0  }
.Ltmp0:
0xa: {  	s8 =	sshrl.u32 s30, $0x9;
	s6 =	simm.s32 @!p0 $0x0;
	(pc) =	sbr.rel .LBB1_1-.Ltmp0, $4  }
0xb: {  	s2 =	rddreg [dreg:$0x2];
	s8 =	sadd.s32 $0x1, s8;
	s6 =	sadd.s32 s6, s5  }
0xc: {  	_ =	strace $0x8000004A;
	s5 =	simm.s32 $0x1;
	s6 =	smul.u32 s6, s8  }
0xd: {  	s13 =	smov.u32 s1;
	s12 =	smov.u32 s4;
	[sflag:s5] =	ssyncpa.u1 $0x0  }
0xe: {  	p0 =	por $0x0, $0x0;
	[sflag:s31] =	ssyncpa.u1 $0x0;
	s8 =	sadd.s32 $0x1, s6  }
.LBB1_4:
0xf: {  	s21 =	sshra.s32 s21, $0x2;
	s27 =	sshll.u32 s10, $0xA;
	s22 =	sshll.u32 s11, $0x3  }
0x10: {  	s23 =	sshll.u32 s10, $0x7;
	s24 =	sand.u32 $0x78, s11;
	p1 =	sgt.s32 s10, $0x37C0  }
0x11: {  	s25 =	sshra.s32 s10, $0x1F;
	s26 =	sshra.s32 s11, $0x1F;
	s20 =	sadd.s32 s21, s20  }
0x12: {  	v5 =	vld [tilespmem:s18+$0xFFFFFFD0];
	[tilespmem:s19+$0x2040 ss:$0x81] =	vst.msk $0xffff, v4;
	s21 =	sand.u32 $0xFFFFE000, s27;
	s22 =	sand.u32 $0xFFFFFC00, s22;
	s28 =	sand.u32 $0x380, s23  }
0x13: {  	v58 =	vld [tilespmem:s18+$0xFFFFFFE0];
	[tilespmem:s19+$0x2850 ss:$0x81] =	vst.msk $0xffff, v3;
	s23 =	smov.u32 s10;
	s30 =	sand.u32 s25, s10;
	s25 =	smov.u32 s11  }
0x14: {  	v59 =	vld [tilespmem:s18+$0xFFFFFFF0];
	[tilespmem:s19+$0x3060 ss:$0x81] =	vst.msk $0xffff, v2;
	s31 =	sand.u32 s26, s11;
	s21 =	sadd.s32 s22, s21;
	s22 =	sor.u32 s24, s28  }
0x15: {  	v60 =	vld [tilespmem:s18+$0x0];
	[tilespmem:s19+$0x0 ss:$0x81] =	vst.msk $0xffff, v1;
	s23 =	simm.s32 @!p1 $0x37C0;
	p1 =	sgt.s32 s11, $0x380;
	s21 =	sshrl.u32 s21, $0xA  }
0x16: {  	v61 =	vld [tilespmem:s18+$0x10];
	[tilespmem:s20+$0x3870 ss:$0x81] =	vst.msk $0xffff, v0;
	s19 =	ssub.s32 s23, s30;
	s25 =	simm.s32 @!p1 $0x380;
	s29 =	smulhi.u32 $0x2468AD, s21  }
0x17: {  	v62 =	vld [tilespmem:s18+$0x20];
	s23 =	ssub.s32 s25, s31;
	s26 =	sadd.s32 $0xFFFFC840, s19;
	s19 =	ssub.s32 $0x3840, s19;
	[tilespmem:s20+$0x810 ss:$0x81] =	vst.msk $0xffff, v5  }
0x18: {  	v63 =	vld [tilespmem:s18+$0xFFFFFFC0];
	[tilespmem:s20+$0x1020 ss:$0x81] =	vst.msk $0xffff, v58;
	p1 =	sgt.s32 s26, $0x7F;
	s28 =	sadd.s32 $0xFFFFFC80, s23;
	s24 =	sshrl.u32 s29, $0x3  }
0x19: {  	[tilespmem:s20+$0x1830 ss:$0x81] =	vst.msk $0xffff, v59;
	s23 =	ssub.s32 $0x400, s23;
	p2 =	sgt.s32 s28, $0x7F;
	s27 =	smul.u32 $0x3840, s24  }
0x1a: {  	s30 =	sand.u32 $0x7, s11;
	[tilespmem:s20+$0x2040 ss:$0x81] =	vst.msk $0xffff, v60;
	s19 =	simm.s32 @p1 $0x0;
	s23 =	simm.s32 @p2 $0x0  }
0x1b: {  	[tilespmem:s20+$0x2850 ss:$0x81] =	vst.msk $0xffff, v61;
	s29 =	sshrl.u32 s22, $0x3;
	s19 =	smul.u32 s23, s19;
	s18 =	ssub.s32 s21, s27  }
0x1c: {  	[tilespmem:s20+$0x3060 ss:$0x81] =	vst.msk $0xffff, v62;
	s22 =	sshll.u32 s30, $0x12;
	s21 =	sadd.s32 s3, s29;
	s18 =	sshll.u32 s18, $0x7  }
0x1d: {  	[tilespmem:s20+$0x0 ss:$0x81] =	vst.msk $0xffff, v63;
	s31 =	sor.u32 $0x400, s22;
	s19 =	sand.u32 $0x3FFFFFFF, s19;
	s18 =	sadd.s32 s18, s21  }
0x1e: {  	[hbm4b:s18+s31] =	stream.strided.scatter [tilespmem:s17], [sflag:$0x2], s19, s9, s31, $0x20;
	[tilespmem:$0x10100] =	vst v63  }
.LBB1_5:
0x1f: {  	p1 =	slt.u32 s14, $0x2  }
0x20: {  	s18 =	smov.u32 s16;
	p2 =	sgt.s32 @!p1 s16, $0x37C0;
	s17 =	sshra.s32 @!p1 s16, $0x1F  }
0x21: {  	p3 =	sgt.s32 @!p1 s15, $0x380;
	s19 =	sshra.s32 @!p1 s15, $0x1F;
	p2 =	por !p2, p1  }
0x22: {  	s16 =	sand.u32 @!p1 s17, s16;
	p3 =	por !p3, p1;
	s17 =	smov.u32 s15  }
0x23: {  	s15 =	sand.u32 @!p1 s19, s15;
	s18 =	simm.s32 @p2 $0x37C0;
	s17 =	simm.s32 @p3 $0x380  }
0x24: {  	s16 =	ssub.s32 @!p1 s18, s16;
	s15 =	ssub.s32 @!p1 s17, s15  }
0x25: {  	s19 =	smov.u32 s13;
	s17 =	sadd.s32 @!p1 $0xFFFFC840, s16;
	s18 =	sadd.s32 @!p1 $0xFFFFFC80, s15  }
0x26: {  	s16 =	ssub.s32 @!p1 $0x3840, s16;
	p2 =	sgt.s32 @!p1 s17, $0x7F;
	p3 =	sgt.s32 @!p1 s18, $0x7F  }
0x27: {  	s15 =	ssub.s32 @!p1 $0x400, s15;
	p2 =	por !p2, p1;
	p3 =	por !p3, p1  }
0x28: {  	s17 =	sadd.s32 $0x200, s12;
	s16 =	simm.s32 @!p2 $0x0;
	s15 =	simm.s32 @!p3 $0x0  }
0x29: {  	p2 =	sgt.s32 s17, $0x383F;
	s15 =	smul.u32 @!p1 s15, s16;
	s16 =	sadd.s32 $0x400, s13  }
0x2a: {  	s19 =	smov.u32 @p2 s16  }
0x2b: {  	s17 =	smov.u32 @p2 s4;
	p2 =	sgt.s32 s19, $0x3FF  }
0x2c: {  	s19 =	smov.u32 @p2 s1;
	p2 =	sne.s32 s14, s8  }
.Ltmp1:
0x2d: {  	p0 =	por !p0, !p0;
	s18 =	simm.s32 @!p1 $0x2;
	(pc) =	sbr.rel @!p2 .LBB1_6-.Ltmp1, $4  }
0x2e: {  	s16 =	smov.u32 s10;
	s10 =	smov.u32 s12;
	s15 =	sand.u32 @!p1 $0x3FFFFFFF, s15  }
0x2f: {  	s12 =	smov.u32 s17;
	_ =	swait.ge @!p1 [sflag:s18], s15;
	s20 =	ssub.s32 @!p1 $0x0, s15  }
0x30: {  	s15 =	smov.u32 s11;
	s14 =	sadd.s32 $0x1, s14;
	[sflag:s18] =	ssyncset.done @!p1 $0x0  }
0x31: {  	s11 =	smov.u32 s13;
	s13 =	smov.u32 s19;
	[sflag:s18] =	ssyncadd.s32 @!p1 s20  }
.LBB1_1:
0x32: {  	p1 =	sge.u32 s14, s6  }
0x33: {  	s17 =	sshrl.u32 @!p1 s13, $0x3  }
0x34: {  	s18 =	sshll.u32 @!p1 s12, $0x3;
	s17 =	smul.u32 @!p1 $0x1C400, s17  }
0x35: {  	s19 =	sshll.u32 @!p1 s13, $0x7;
	s18 =	sand.u32 @!p1 $0xFFFFFC00, s18  }
0x36: {  	s17 =	sadd.s32 @!p1 s17, s18;
	s18 =	sand.u32 @!p1 $0x380, s19  }
0x37: {  	s17 =	sor.u32 @!p1 s18, s17  }
0x38: {  	s18 =	sshrl.u32 @!p1 s17, $0x7  }
0x39: {  	s18 =	smulhi.u32 @!p1 $0x243F6F1, s18;
	_ =	sdelay $0x1  }
0x3a: {  	s19 =	sand.u32 @!p1 $0x7F, s12;
	s20 =	smul.u32 @!p1 $0x3880, s18  }
0x3b: {  	s31 =	sadd.s32 $0xFFFFFFFF, s14;
	s17 =	sor.u32 @!p1 s19, s17;
	s19 =	sxor.u32 @!p1 $0xFFFFFFFF, s14  }
0x3c: {  	s19 =	sshll.u32 @!p1 s19, $0xE;
	s18 =	sand.u32 @!p1 $0x3FF, s18;
	s17 =	ssub.s32 @!p1 s17, s20  }
0x3d: {  	s18 =	smul.u32 @!p1 $0x710, s18;
	s20 =	sshrl.u32 @!p1 s17, $0x3;
	s17 =	sand.u32 @!p1 $0x7, s17  }
0x3e: {  	s19 =	sand.u32 @!p1 $0x4000, s19;
	s20 =	sadd.s32 @!p1 s7, s20;
	s17 =	sshll.u32 @!p1 s17, $0x12  }
0x3f: {  	s18 =	sadd.s32 @!p1 s18, s20;
	s17 =	sor.u32 @!p1 $0x400, s17;
	s20 =	simm.s32 @!p1 $0x1C400  }
0x40: {  	[tilespmem:s19], [sflag:$0x1] =	stream.strided.gather @!p1 [hbm4b:s18+s17], $0x4000, s20, s17, $0x38;
	[tilespmem:$0x10100] =	vst v63  }
0x41: {  	p1 =	sge.u32 s31, s6  }
.Ltmp2:
0x42: {  	_ = 	snop;
	(pc) =	sbr.rel @p1 .LBB1_5-.Ltmp2, $1  }
0x43: {  	_ =	sdelay $0x3  }
0x44: {  	s17 =	simm.s32 $0x1  }
0x45: {  	_ =	swait.ge [sflag:s5], $0x4000;
	s17 =	simm.s32 @!p0 $0x0  }
0x46: {  	[sflag:s5] =	ssyncset.done $0x0;
	s18 =	sshll.u32 s17, $0xE  }
0x47: {  	[sflag:s5] =	ssyncadd.s32 $0xFFFFC000;
	s18 =	sor.u32 $0x40, s18  }
0x48: {  	s17 =	smul.u32 $0x10200, s17;
	v0 =	vld [tilespmem:s18+$0x30]  }
0x49: {  	v1 =	vld [tilespmem:s18+$0xFFFFFFD0]  }
0x4a: {  	s17 =	sshrl.u32 s17, $0x2;
	v5 =	vld [tilespmem:s18+$0xFFFFFFE0]  }
0x4b: {  	v6 =	vld [tilespmem:s18+$0xFFFFFFF0];
	s20 =	sor.u32 $0x8000, s17  }
0x4c: {  	s31 =	sand.u32 $0x1, s14;
	v4 =	vld [tilespmem:s18+$0x0];
	s19 =	sadd.s32 $0x0, s20  }
0x4d: {  	v3 =	vld [tilespmem:s18+$0x10];
	s17 =	smul.u32 $0x10200, s31;
	[tilespmem:s19+$0x3870 ss:$0x81] =	vst.msk $0xffff, v0  }
0x4e: {  	v2 =	vld [tilespmem:s18+$0x20];
	[tilespmem:s19+$0x810 ss:$0x81] =	vst.msk $0xffff, v1  }
0x4f: {  	s17 =	sshrl.u32 s17, $0x2;
	v1 =	vld [tilespmem:s18+$0xFFFFFFC0];
	[tilespmem:s19+$0x1020 ss:$0x81] =	vst.msk $0xffff, v5;
	s18 =	sadd.s32 $0x80, s18  }
0x50: {  	s21 =	simm.s32 $0x4;
	s22 =	simm.s32 $0x8;
	s17 =	sor.u32 $0x8000, s17;
	[tilespmem:s19+$0x1830 ss:$0x81] =	vst.msk $0xffff, v6;
	v0 =	vld [tilespmem:s18+$0x30]  }
.LBB1_3:
0x51: {  	p1 =	sne.s32 s22, $0x1FC;
	v5 =	vld [tilespmem:s18+$0xFFFFFFD0];
	[tilespmem:s19+$0x2040 ss:$0x81] =	vst.msk $0xffff, v4  }
0x52: {  	v6 =	vld [tilespmem:s18+$0xFFFFFFE0];
	[tilespmem:s19+$0x2850 ss:$0x81] =	vst.msk $0xffff, v3  }
0x53: {  	s23 =	sshra.s32 s21, $0x2;
	s21 =	smov.u32 s22;
	v7 =	vld [tilespmem:s18+$0xFFFFFFF0];
	[tilespmem:s19+$0x3060 ss:$0x81] =	vst.msk $0xffff, v2  }
.Ltmp3:
0x54: {  	v4 =	vld [tilespmem:s18+$0x0];
	[tilespmem:s19+$0x0 ss:$0x81] =	vst.msk $0xffff, v1;
	s19 =	sadd.s32 s23, s20;
	(pc) =	sbr.rel @p1 .LBB1_3-.Ltmp3, $4  }
0x55: {  	v3 =	vld [tilespmem:s18+$0x10];
	[tilespmem:s19+$0x3870 ss:$0x81] =	vst.msk $0xffff, v0  }
0x56: {  	[tilespmem:s19+$0x810 ss:$0x81] =	vst.msk $0xffff, v5;
	v2 =	vld [tilespmem:s18+$0x20]  }
0x57: {  	v1 =	vld [tilespmem:s18+$0xFFFFFFC0];
	[tilespmem:s19+$0x1020 ss:$0x81] =	vst.msk $0xffff, v6;
	s18 =	sadd.s32 $0x80, s18  }
0x58: {  	s22 =	sadd.s32 $0x4, s22;
	v0 =	vld [tilespmem:s18+$0x30];
	[tilespmem:s19+$0x1830 ss:$0x81] =	vst.msk $0xffff, v7  }
.Ltmp4:
0x59: {  	_ = 	snop;
	(pc) =	sbr.rel .LBB1_4-.Ltmp4, $1  }
0x5a: {  	_ =	sdelay $0x3  }
.LBB1_6:
0x5b: {  	_ =	sfence.sel $0x180000  }
0x5c: {  	s1 =	simm.s32 $0x1;
	[bflag:$0x0] =	sbarrier.arrive $0xFFFF  }
0x5d: {  	s31 =	simm.s32 $0x2;
	[sflag:s1] =	ssyncpa.u1 $0x1  }
0x5e: {  	[sflag:s31] =	ssyncpa.u1 $0x1  }
0x5f: {  	p0 =	sne.s32 s0, $0x0;
	_ =	strace $0x9000004A  }
0x60: {  	s0 =	sadd.s32 @!p0 $0x100000, s2;
	[bflag:$0x2] =	sbarrier.arrive $0xFFFF  }
0x61: {  	[sflag:s0] =	ssyncadd.tile.s32 @!p0 $0x1;
	_ =	shalt  }
.Lfunc_end1:
_tile_overlayer_lowered:
.L_overlay_start_2:
0x62: {  	(tag) =	ssettag $0x2  }
0x63: {  	s0 =	rddreg [dreg:$0x0];
	s2 =	stileid.u32  }
0x64: {  	s1 =	rddreg [dreg:$0x1];
	p0 =	sne.s32 s2, $0x0  }
0x65: {  	s3 =	rddreg [dreg:$0x2];
	[bflag:$0x3] =	sbarrier.arrive $0xFFFF;
	s2 =	simm.s32 @!p0 $0x1C01  }
0x66: {  	[timem:s3], [sflag:s2] =	dma.local @!p0 [hbm:s0], s1  }
0x67: {  	s0 =	simm.s32 @!p0 $0x1  }
0x68: {  	_ =	swait.ge @!p0 [sflag:s0], s1  }
0x69: {  	s1 =	ssub.s32 @!p0 $0x0, s1;
	[sflag:s0] =	ssyncset.done @!p0 $0x0  }
0x6a: {  	[sflag:s0] =	ssyncadd.s32 @!p0 s1  }
0x6b: {  	[bflag:$0x3] =	sbarrier.arrive $0xFFFF  }
0x6c: {  	_ =	shalt  }

// kernel: sparse-core-data-format-call.cloned.1.call-start
scs
called_computation_lowered:
.L_overlay_start_0:
0x0: {  	s2 =	sld [smem:$0x3FD9]  }
0x1: {  	s3 =	sld [smem:$0x3FFE];
	_ =	sdelay $0x1  }
0x2: {  	s1 =	srdreg.scid  }
0x3: {  	s0 =	sand.u32 $0x1, s1  }
0x4: {  	s18 =	sshll.u32 s0, $0xA;
	s2 =	sadd.s32 s3, s2  }
0x5: {  	s2 =	sadd.s32 s2, s18  }
0x6: {  	[smem:$0x3FC4] =	sst s2  }
0x7: {  	_ = 	snop  }
0x8: {  	s2 =	sld [smem:$0x3FD0];
	(tm) =	ssettm $0x1  }
0x9: {  	s19 =	sld [smem:$0x3FFB];
	_ =	sdelay $0x3  }
0xa: {  	_ =	strace s19  }
0xb: {  	s3 =	sld [smem:$0x3FFC];
	_ =	sdelay $0x3  }
0xc: {  	_ =	strace s3  }
0xd: {  	s3 =	sld [smem:$0x3FFD];
	_ =	sdelay $0x3  }
0xe: {  	_ =	strace s3  }
0xf: {  	_ =	strace $0x8FFFFFFF  }
0x10: {  	s20 =	sld [smem:$0x3FDB];
	_ =	sdelay $0x1  }
0x11: {  	s4 =	simm.s32 $_scs_section_size  }
0x12: {  	s5 =	simm.s32 $_size__tile_overlayer_lowered;
	s6 =	simm.s32 $_tile_overlayer_lowered  }
0x13: {  	s23 =	simm.s32 $0x1BFF;
	s22 =	sshll.u32 s6, $0x1;
	s3 =	sadd.s32 s4, s20  }
0x14: {  	s7 =	simm.s32 $0x0;
	s21 =	sshll.u32 s5, $0x1;
	s5 =	sadd.s32 s22, s3  }
0x15: {  	[timem:s7], [sflag:s23] =	dma.local [hbm:s5], s21  }
0x16: {  	_ =	swait.ge [sflag:s23], s21  }
0x17: {  	s4 =	ssub.s32 $0x0, s21;
	[sflag:s23] =	ssyncset.done $0x0  }
0x18: {  	[sflag:s23] =	ssyncadd.s32 s4;
	_ =	sdelay $0x1  }
0x19: {  	s24 =	simm.s32 $0x1B8B  }
0x1a: {  	_ =	swait.ge [sflag:s24], $0x1  }
0x1b: {  	[sflag:s24] =	ssyncset.done $0x0  }
0x1c: {  	s26 =	simm.s32 $0x1B8E;
	s25 =	sld [smem:$0x3FFE];
	[sflag:s24] =	ssyncadd.s32 $0xFFFFFFFF  }
0x1d: {  	s27 =	simm.s32 $execute0_lowered;
	[smem:$0x3FD2] =	sst s26  }
0x1e: {  	s5 =	sshll.u32 s27, $0x1;
	_ =	strace $0x8000004C;
	[dreg:$0x1] =	wrdreg $0xFFFFFFFF  }
0x1f: {  	s28 =	simm.s32 $_size_execute0_lowered;
	s3 =	sadd.s32 s3, s5;
	[dreg:$0x0] =	wrdreg $0x0  }
0x20: {  	s5 =	sshll.u32 s28, $0x1;
	[dreg:$0x2] =	wrdreg s3  }
0x21: {  	[dreg:$0x3] =	wrdreg s5  }
0x22: {  	[dreg:$0x4] =	wrdreg $0xC0  }
0x23: {  	_ =	task [dreg:s7], $0x5FFFF  }
0x24: {  	[dreg:$0x1] =	wrdreg $0xFFFFFFFF  }
0x25: {  	[dreg:$0x0] =	wrdreg $0x60  }
0x26: {  	[dreg:$0x2] =	wrdreg s25  }
0x27: {  	[dreg:$0x3] =	wrdreg s2  }
0x28: {  	[dreg:$0x4] =	wrdreg $0x9  }
0x29: {  	_ =	task.clear_ibuf [dreg:s7], $0x5FFFF;
	_ =	strace $0x9000004C  }
0x2a: {  	s29 =	simm.s32 $0x9;
	_ =	strace $0x8000004E  }
0x2b: {  	_ =	swait.ge [sflag:s29], $0x1  }
0x2c: {  	[sflag:s29] =	ssyncadd.s32 $0xFFFFFFFF  }
0x2d: {  	_ =	strace $0x9000004E  }
0x2e: {  	_ =	sfence  }
0x2f: {  	s30 =	sld [smem:$0x0];
	_ =	sdelay $0x2  }
0x30: {  	s31 =	sshll.u32 s1, $0xD;
	s1 =	sshrl.u32 s1, $0x2  }
0x31: {  	s3 =	sand.u32 $0x4000, s31;
	s1 =	sadd.s32 s1, s30  }
0x32: {  	s0 =	sor.u32 s3, s0;
	s1 =	sshll.u32 s1, $0x11  }
0x33: {  	s0 =	sor.u32 s1, s0  }
0x34: {  	s0 =	sadd.s32 $0x8F2B, s0  }
0x35: {  	[sflag:s0] =	ssyncadd.remote.s32 $0x1  }
0x36: {  	_ =	sfence.sel $0xFFFF  }
0x37: {  	[dreg:$0x0] =	wrdreg $0xFFFFFFFF;
	(pc) =	sbr.abs _section_cstart, $3  }
0x38: {  	[dreg:$0x1] =	wrdreg $0xFFFFFFFF  }
0x39: {  	_ =	task.clear_ibuf [dreg:s7], $0x2FFFF;
	_ =	strace $0x9FFFFFFF  }
0x3a: {  	(tm) =	ssettm $0x7FFFFFFF  }
0x3b: {  	_ =	shalt  }
tec
execute0_lowered:
.L_overlay_start_1:
0x0: {  	(tag) =	ssettag $0x1  }
0x1: {  	s8 =	stileid.u32;
	s0 =	srdreg.scid  }
0x2: {  	s7 =	rddreg [dreg:$0x0];
	_ =	strace $0x8000004D;
	s29 =	simm.s32 $0x1  }
0x3: {  	s31 =	simm.s32 $0x2;
	s21 =	simm.s32 $0x0;
	s11 =	simm.s32 $0x0  }
0x4: {  	s23 =	simm.s32 $0x0;
	s24 =	simm.s32 $0x0;
	s1 =	sshll.u32 s8, $0x3  }
0x5: {  	s22 =	simm.s32 $0x0;
	s0 =	sshll.u32 s0, $0x8;
	s2 =	sand.u32 $0x38, s1  }
0x6: {  	s12 =	simm.s32 $0x0;
	s10 =	sand.u32 $0x100, s0;
	s27 =	ssub.s32 $0x40, s2  }
0x7: {  	s4 =	ssub.s32 $0x400, s10;
	s3 =	sshrl.u32 s27, $0x6;
	s0 =	sand.u32 $0x38, s27  }
0x8: {  	s5 =	sshrl.u32 s4, $0x8;
	p0 =	sne.s32 s0, $0x0;
	s0 =	simm.s32 $0x1  }
0x9: {  	s4 =	sshrl.u32 s4, $0x9;
	s5 =	sand.u32 $0x1, s5;
	s0 =	simm.s32 @!p0 $0x0  }
0xa: {  	s13 =	simm.s32 $0x0;
	s28 =	sadd.s32 s4, s5;
	s0 =	sadd.s32 s0, s3  }
0xb: {  	s14 =	simm.s32 $0x0;
	s15 =	simm.s32 $0x0;
	s0 =	smul.u32 s28, s0  }
.Ltmp0:
0xc: {  	s18 =	simm.s32 $0x0;
	s20 =	simm.s32 $0x0;
	(pc) =	sbr.rel .LBB1_1-.Ltmp0, $4  }
0xd: {  	s30 =	simm.s32 $0x0;
	[sflag:s29] =	ssyncpa.u1 $0x0;
	s6 =	smul.u32 $0xF, s0  }
0xe: {  	s8 =	sand.u32 $0x8, s8;
	s1 =	sadd.s32 $0x1400, s7;
	[sflag:s31] =	ssyncpa.u1 $0x0  }
0xf: {  	s17 =	smov.u32 s8;
	[dreg:$0x3] =	wrdreg s8;
	s25 =	sadd.s32 $0x1, s6  }
0x10: {  	s16 =	smov.u32 s10;
	s19 =	smov.u32 s2;
	[dreg:$0x4] =	wrdreg s25  }
.LBB1_7:
0x11: {  	p0 =	slt.u32 s20, $0x2;
	s0 =	smov.u32 s24  }
0x12: {  	s4 =	smov.u32 s23;
	s11 =	sadd.s32 $0x4000, s11;
	p1 =	sgt.s32 @!p0 s24, $0xE  }
0x13: {  	s3 =	sshra.s32 @!p0 s24, $0x1F;
	s5 =	sshra.s32 @!p0 s23, $0x1F;
	p1 =	por !p1, p0  }
0x14: {  	s7 =	sshra.s32 @!p0 s21, $0x1F;
	s3 =	sand.u32 @!p0 s3, s24;
	s0 =	simm.s32 @p1 $0xE  }
0x15: {  	s7 =	sand.u32 @!p0 s7, s21;
	p1 =	sgt.s32 @!p0 s23, $0x7;
	s0 =	ssub.s32 @!p0 s0, s3  }
0x16: {  	s24 =	smov.u32 s14;
	p1 =	por !p1, p0;
	s3 =	sadd.s32 @!p0 $0xFFFFFFF2, s0  }
0x17: {  	s4 =	simm.s32 @p1 $0x7;
	s0 =	ssub.s32 @!p0 $0xF, s0;
	p2 =	sgt.s32 @!p0 s3, $0x0  }
0x18: {  	s3 =	sand.u32 @!p0 s5, s23;
	s5 =	sshra.s32 @!p0 s22, $0x1F;
	p1 =	por !p2, p0  }
0x19: {  	s3 =	ssub.s32 @!p0 s4, s3;
	p2 =	sgt.s32 @!p0 s22, $0x38;
	s5 =	sand.u32 @!p0 s5, s22  }
0x1a: {  	s0 =	simm.s32 @!p1 $0x0;
	s4 =	sadd.s32 @!p0 $0xFFFFFFF9, s3;
	s3 =	ssub.s32 @!p0 $0xF, s3  }
0x1b: {  	p2 =	por !p2, p0;
	p1 =	sgt.s32 @!p0 s4, $0x7;
	s4 =	smov.u32 s22  }
0x1c: {  	p1 =	por !p1, p0;
	s4 =	simm.s32 @p2 $0x38;
	p2 =	sgt.s32 @!p0 s21, $0x300  }
0x1d: {  	s4 =	ssub.s32 @!p0 s4, s5;
	p2 =	por !p2, p0;
	s5 =	smov.u32 s21  }
0x1e: {  	s3 =	simm.s32 @!p1 $0x0;
	s9 =	sadd.s32 @!p0 $0xFFFFFFC8, s4;
	s5 =	simm.s32 @p2 $0x300  }
0x1f: {  	s4 =	ssub.s32 @!p0 $0x40, s4;
	p1 =	sgt.s32 @!p0 s9, $0x7;
	s5 =	ssub.s32 @!p0 s5, s7  }
0x20: {  	s9 =	smov.u32 s17;
	p1 =	por !p1, p0;
	s7 =	sadd.s32 @!p0 $0xFFFFFD00, s5  }
0x21: {  	s4 =	simm.s32 @!p1 $0x0;
	p1 =	sgt.s32 @!p0 s7, $0xFF;
	s7 =	sadd.s32 $0x200, s16  }
0x22: {  	s0 =	smul.u32 @!p0 s4, s0;
	p2 =	sgt.s32 s7, $0x3FF;
	s4 =	sadd.s32 $0x10, s17  }
0x23: {  	s14 =	smov.u32 s18;
	s23 =	smov.u32 s13;
	s9 =	smov.u32 @p2 s4  }
0x24: {  	s0 =	smul.u32 @!p0 s3, s0;
	p3 =	sgt.s32 s9, $0xE;
	s3 =	simm.s32 $0x1  }
0x25: {  	s5 =	ssub.s32 @!p0 $0x400, s5;
	p1 =	por !p1, p0;
	s3 =	simm.s32 @!p3 $0x0  }
0x26: {  	s5 =	simm.s32 @!p1 $0x0;
	s4 =	sadd.s32 $0x40, s19;
	s3 =	sadd.s32 s3, s18  }
0x27: {  	s0 =	smul.u32 @!p0 s5, s0;
	s5 =	smov.u32 s19;
	p1 =	sgt.s32 s3, $0xE  }
0x28: {  	s13 =	smov.u32 s17;
	s22 =	smov.u32 s15;
	s5 =	smov.u32 @p1 s4  }
0x29: {  	s15 =	smov.u32 s19;
	s3 =	simm.s32 @p1 $0x0;
	p1 =	sgt.s32 s5, $0x3F  }
0x2a: {  	s21 =	smov.u32 s12;
	s5 =	smov.u32 @p1 s2;
	p1 =	sne.s32 s20, s25  }
.Ltmp1:
0x2b: {  	s12 =	smov.u32 s16;
	s7 =	smov.u32 @p2 s10;
	(pc) =	sbr.rel @!p1 .LBB1_8-.Ltmp1, $4  }
0x2c: {  	s9 =	smov.u32 @p3 s8;
	s0 =	sand.u32 @!p0 $0x3FFFFFFF, s0;
	s4 =	simm.s32 @!p0 $0x2  }
0x2d: {  	s16 =	smov.u32 s7;
	s17 =	smov.u32 s9;
	_ =	swait.ge @!p0 [sflag:s4], s0  }
0x2e: {  	s0 =	ssub.s32 @!p0 $0x0, s0;
	s18 =	smov.u32 s3;
	[sflag:s4] =	ssyncset.done @!p0 $0x0  }
0x2f: {  	s20 =	sadd.s32 $0x1, s20;
	[sflag:s4] =	ssyncadd.s32 @!p0 s0;
	s19 =	smov.u32 s5  }
.LBB1_1:
0x30: {  	p0 =	sge.u32 s20, s6;
	s31 =	sadd.s32 $0xFFFFFFFF, s20  }
0x31: {  	s0 =	sxor.u32 @!p0 $0xFFFFFFFF, s20;
	s3 =	sshll.u32 @!p0 s17, $0x7;
	s4 =	sand.u32 @!p0 $0x78, s16  }
0x32: {  	s7 =	smul.u32 @!p0 $0x7800, s19;
	s0 =	sshll.u32 @!p0 s0, $0xE;
	s5 =	sand.u32 @!p0 $0x380, s3  }
0x33: {  	s3 =	sand.u32 @!p0 $0x400, s3;
	s0 =	sand.u32 @!p0 $0x4000, s0;
	s4 =	sor.u32 @!p0 s4, s5  }
0x34: {  	s3 =	sadd.s32 @!p0 s16, s3;
	s5 =	sshll.u32 @!p0 s18, $0xB;
	s7 =	sadd.s32 @!p0 s1, s7  }
0x35: {  	s4 =	sshrl.u32 @!p0 s4, $0x3;
	s5 =	sadd.s32 @!p0 s5, s7;
	s7 =	sand.u32 @!p0 $0x7, s16  }
0x36: {  	s3 =	sand.u32 @!p0 $0x780, s3;
	s4 =	sadd.s32 @!p0 s4, s5;
	s5 =	sshll.u32 @!p0 s7, $0x12  }
0x37: {  	s3 =	sadd.s32 @!p0 s3, s4;
	s4 =	sor.u32 @!p0 $0x800, s5;
	s5 =	simm.s32 @!p0 $0x3C000  }
0x38: {  	[tilespmem:s0], [sflag:$0x1] =	stream.strided.gather @!p0 [hbm4b:s3+s4], $0x4000, s5, s4, $0x38;
	[tilespmem:$0x10000] =	vst v63  }
0x39: {  	p0 =	sge.u32 s31, s6  }
.Ltmp2:
0x3a: {  	_ = 	snop;
	(pc) =	sbr.rel @p0 .LBB1_7-.Ltmp2, $1  }
0x3b: {  	_ =	sdelay $0x3  }
0x3c: {  	s8 =	smov.u32 s10;
	s0 =	sshll.u32 s11, $0x2  }
0x3d: {  	s4 =	simm.s32 $0x1;
	s3 =	sshll.u32 s20, $0xE;
	p0 =	por $0x0, $0x0  }
0x3e: {  	s31 =	simm.s32 $0x0;
	s0 =	sand.u32 $0x10000, s0;
	_ =	swait.ge [sflag:s4], $0x4000  }
0x3f: {  	s28 =	sand.u32 $0x4000, s3;
	s3 =	simm.s32 $0x0;
	s0 =	sshrl.u32 s0, $0x2  }
0x40: {  	[sflag:s4] =	ssyncset.done $0x0;
	s25 =	sor.u32 $0x8000, s28;
	s26 =	sor.u32 $0x40, s0  }
0x41: {  	s10 =	sor.u32 $0x8410, s0;
	[sflag:s4] =	ssyncadd.s32 $0xFFFFC000;
	s29 =	sadd.s32 $0x8400, s0  }
.LBB1_3:
0x42: {  	v1 =	vld [tilespmem:s26+$0xFFFFFFD0]  }
0x43: {  	v2 =	vld [tilespmem:s26+$0x430]  }
0x44: {  	s0 =	sshll.u32 s3, $0xB;
	v4 =	vld [tilespmem:s26+$0xFFFFFFE0]  }
0x45: {  	v7 =	vld [tilespmem:s26+$0xFFFFFFF0];
	v0 =	vmov s0  }
0x46: {  	v8 =	vld [tilespmem:s26+$0x0]  }
0x47: {  	s7 =	sand.u32 $0x300, s30;
	v9 =	vld [tilespmem:s26+$0x10]  }
0x48: {  	s4 =	sand.u32 $0x80, s30;
	v10 =	vld [tilespmem:s26+$0x20];
	s0 =	sadd.s32 s7, s28  }
0x49: {  	v11 =	vld [tilespmem:s26+$0x30];
	s0 =	sadd.s32 s4, s0;
	s4 =	simm.s32 $0x1;
	[tilespmem:s10+$0x60] =	vst v2  }
0x4a: {  	s9 =	sshll.u32 s31, $0x2;
	s4 =	simm.s32 @!p0 $0x0;
	[tilespmem:s10+$0xFFFFFC00] =	vst v1;
	v3 =	vld.idx.msk [tilespmem:v0+s0+$0x400 ss:$0x1], $0xffff  }
0x4b: {  	v6 =	vld [tilespmem:s26+$0x3D0];
	s4 =	sshll.u32 s4, $0x9;
	[tilespmem:s10+$0xFFFFFC10] =	vst v4;
	s0 =	sand.u32 $0xFFFFFC00, s9  }
0x4c: {  	v5 =	vld [tilespmem:s26+$0x3E0];
	[tilespmem:s10+$0xFFFFFC20] =	vst v7;
	s0 =	sor.u32 s4, s0  }
0x4d: {  	[tilespmem:s10+$0xFFFFFC30] =	vst v8;
	v4 =	vld [tilespmem:s26+$0x400];
	s0 =	sshrl.u32 s0, $0x2  }
0x4e: {  	[tilespmem:s10+$0xFFFFFC40] =	vst v9;
	v1 =	vld [tilespmem:s26+$0x410];
	s0 =	sadd.s32 s0, s29  }
0x4f: {  	[tilespmem:s0+$0x0] =	vst v3;
	v3 =	vld [tilespmem:s26+$0x3F0]  }
0x50: {  	s5 =	simm.s32 $0x100;
	s7 =	simm.s32 $0x80;
	[tilespmem:s10+$0xFFFFFC50] =	vst v10;
	v2 =	vld [tilespmem:s26+$0x420]  }
0x51: {  	s27 =	smov.u32 s10;
	v7 =	vld [tilespmem:s26+$0xFFFFFFC0];
	[tilespmem:s10+$0xFFFFFC60] =	vst v11;
	s9 =	sand.u32 $0x300, s7;
	s4 =	sadd.s32 $0x80, s26  }
.LBB1_4:
0x52: {  	p1 =	sne.s32 s5, $0x380;
	v8 =	vld [tilespmem:s4+$0xFFFFFFD0];
	s7 =	sand.u32 $0x80, s7;
	s9 =	sadd.s32 s9, s28;
	[tilespmem:s27+$0x0] =	vst v6  }
0x53: {  	s9 =	sadd.s32 s7, s9;
	v6 =	vld [tilespmem:s4+$0x430];
	[tilespmem:s27+$0x10] =	vst v5;
	s7 =	smov.u32 s5  }
0x54: {  	v5 =	vld.idx.msk [tilespmem:v0+s9+$0x400 ss:$0x1], $0xffff;
	[tilespmem:s27+$0x20] =	vst v3  }
0x55: {  	v3 =	vld [tilespmem:s4+$0xFFFFFFE0];
	[tilespmem:s27+$0x30] =	vst v4  }
0x56: {  	v4 =	vld [tilespmem:s4+$0xFFFFFFF0];
	[tilespmem:s27+$0xFFFFFBF0] =	vst v7  }
0x57: {  	v7 =	vld [tilespmem:s4+$0x0];
	[tilespmem:s27+$0x40] =	vst v1  }
0x58: {  	v1 =	vld [tilespmem:s4+$0x10];
	[tilespmem:s27+$0x50] =	vst v2;
	s27 =	sadd.s32 $0x800, s27  }
0x59: {  	s0 =	sadd.s32 $0x800, s0;
	v2 =	vld [tilespmem:s4+$0x20];
	[tilespmem:s27+$0x60] =	vst v6  }
0x5a: {  	v9 =	vld [tilespmem:s4+$0x30];
	[tilespmem:s0+$0x0] =	vst v5  }
0x5b: {  	[tilespmem:s27+$0xFFFFFC00] =	vst v8;
	v6 =	vld [tilespmem:s4+$0x3D0]  }
0x5c: {  	[tilespmem:s27+$0xFFFFFC10] =	vst v3;
	v5 =	vld [tilespmem:s4+$0x3E0]  }
.Ltmp3:
0x5d: {  	[tilespmem:s27+$0xFFFFFC20] =	vst v4;
	v3 =	vld [tilespmem:s4+$0x3F0];
	(pc) =	sbr.rel @p1 .LBB1_4-.Ltmp3, $4  }
0x5e: {  	[tilespmem:s27+$0xFFFFFC30] =	vst v7;
	v4 =	vld [tilespmem:s4+$0x400]  }
0x5f: {  	[tilespmem:s27+$0xFFFFFC40] =	vst v1;
	v1 =	vld [tilespmem:s4+$0x410]  }
0x60: {  	[tilespmem:s27+$0xFFFFFC50] =	vst v2;
	v2 =	vld [tilespmem:s4+$0x420]  }
0x61: {  	s5 =	sadd.s32 $0x80, s5;
	s9 =	sand.u32 $0x300, s7;
	v7 =	vld [tilespmem:s4+$0xFFFFFFC0];
	[tilespmem:s27+$0xFFFFFC60] =	vst v9;
	s4 =	sadd.s32 $0x80, s4  }
0x62: {  	[tilespmem:s27+$0x0] =	vst v6  }
0x63: {  	[tilespmem:s27+$0x10] =	vst v5  }
0x64: {  	v49 =	vld [tilespmem:s4+$0x430];
	[tilespmem:s27+$0x20] =	vst v3  }
0x65: {  	v50 =	vld [tilespmem:s4+$0xFFFFFFD0];
	[tilespmem:s27+$0x30] =	vst v4  }
0x66: {  	v51 =	vld [tilespmem:s4+$0xFFFFFFE0];
	[tilespmem:s27+$0x40] =	vst v1  }
0x67: {  	v52 =	vld [tilespmem:s4+$0xFFFFFFF0];
	[tilespmem:s27+$0x50] =	vst v2  }
0x68: {  	v53 =	vld [tilespmem:s4+$0x0];
	[tilespmem:s27+$0xFFFFFBF0] =	vst v7;
	s27 =	sadd.s32 $0x800, s27  }
0x69: {  	v54 =	vld [tilespmem:s4+$0x10];
	[tilespmem:s27+$0x60] =	vst v49  }
0x6a: {  	v55 =	vld [tilespmem:s4+$0x20];
	[tilespmem:s27+$0xFFFFFC00] =	vst v50  }
0x6b: {  	v56 =	vld [tilespmem:s4+$0x30];
	[tilespmem:s27+$0xFFFFFC10] =	vst v51  }
0x6c: {  	v57 =	vld [tilespmem:s4+$0x3D0];
	[tilespmem:s27+$0xFFFFFC20] =	vst v52  }
0x6d: {  	v58 =	vld [tilespmem:s4+$0x3E0];
	[tilespmem:s27+$0xFFFFFC30] =	vst v53  }
0x6e: {  	v59 =	vld [tilespmem:s4+$0x3F0];
	[tilespmem:s27+$0xFFFFFC40] =	vst v54  }
0x6f: {  	v60 =	vld [tilespmem:s4+$0x400];
	[tilespmem:s27+$0xFFFFFC50] =	vst v55  }
0x70: {  	v61 =	vld [tilespmem:s4+$0xFFFFFFC0];
	[tilespmem:s27+$0xFFFFFC60] =	vst v56  }
0x71: {  	s5 =	sand.u32 $0x80, s7;
	s9 =	sadd.s32 s9, s28;
	v62 =	vld [tilespmem:s4+$0x410];
	[tilespmem:s27+$0x0] =	vst v57  }
0x72: {  	v63 =	vld [tilespmem:s4+$0x420];
	s3 =	sadd.s32 $0x1, s3;
	s5 =	sadd.s32 s5, s9;
	[tilespmem:s27+$0x10] =	vst v58  }
0x73: {  	p1 =	sne.s32 s3, $0x8;
	v0 =	vld.idx.msk [tilespmem:v0+s5+$0x400 ss:$0x1], $0xffff;
	[tilespmem:s27+$0x20] =	vst v59  }
.Ltmp4:
0x74: {  	[tilespmem:s27+$0x30] =	vst v60;
	(pc) =	sbr.rel @p1 .LBB1_3-.Ltmp4, $4  }
0x75: {  	[tilespmem:s27+$0xFFFFFBF0] =	vst v61  }
0x76: {  	[tilespmem:s27+$0x40] =	vst v62  }
0x77: {  	s0 =	sadd.s32 $0x800, s0;
	s26 =	sadd.s32 $0x800, s26;
	[tilespmem:s27+$0x50] =	vst v63  }
0x78: {  	s31 =	sadd.s32 $0x80, s31;
	p0 =	por !p0, !p0;
	s10 =	sadd.s32 $0x80, s10;
	[tilespmem:s0+$0x0] =	vst v0  }
0x79: {  	p0 =	sgt.s32 s14, $0xE;
	s0 =	smov.u32 s14;
	s3 =	sshra.s32 s14, $0x1F  }
0x7a: {  	s4 =	sand.u32 $0x78, s12;
	s5 =	sshra.s32 s15, $0x1F;
	s7 =	sshll.u32 s15, $0x7  }
0x7b: {  	s9 =	smov.u32 s13;
	s0 =	simm.s32 @!p0 $0xE;
	s3 =	sand.u32 s3, s14  }
0x7c: {  	s10 =	sshra.s32 s13, $0x1F;
	s27 =	sshra.s32 s12, $0x1F;
	s0 =	ssub.s32 s0, s3  }
0x7d: {  	s29 =	smul.u32 $0x1E000, s14;
	s5 =	sand.u32 s5, s15;
	s3 =	sadd.s32 $0xFFFFFFF2, s0  }
0x7e: {  	s10 =	sand.u32 s10, s13;
	s0 =	ssub.s32 $0xF, s0;
	p0 =	sgt.s32 s3, $0x0  }
0x7f: {  	s3 =	smov.u32 s15;
	s0 =	simm.s32 @p0 $0x0;
	p0 =	sgt.s32 s15, $0x38  }
0x80: {  	s28 =	sand.u32 $0x380, s7;
	s3 =	simm.s32 @!p0 $0x38;
	p0 =	sgt.s32 s13, $0x7  }
0x81: {  	s7 =	sand.u32 $0x1C00, s7;
	s3 =	ssub.s32 s3, s5;
	s9 =	simm.s32 @!p0 $0x7  }
0x82: {  	s31 =	sadd.s32 s12, s7;
	s26 =	sadd.s32 $0xFFFFFFC8, s3;
	s5 =	ssub.s32 s9, s10  }
0x83: {  	s3 =	ssub.s32 $0x40, s3;
	s10 =	smov.u32 s12;
	p0 =	sgt.s32 s26, $0x7  }
0x84: {  	s9 =	sadd.s32 $0xFFFFFFF9, s5;
	s5 =	ssub.s32 $0xF, s5;
	s26 =	rddreg [dreg:$0x1]  }
0x85: {  	s3 =	simm.s32 @p0 $0x0;
	p0 =	sgt.s32 s12, $0x300;
	s7 =	sadd.s32 s26, s29  }
0x86: {  	s10 =	simm.s32 @!p0 $0x300;
	p0 =	sgt.s32 s9, $0x7;
	s9 =	sand.u32 s27, s12  }
0x87: {  	s0 =	smul.u32 s3, s0;
	s3 =	sor.u32 s28, s4;
	s9 =	ssub.s32 s10, s9  }
0x88: {  	s27 =	sand.u32 $0x7, s12;
	s5 =	simm.s32 @p0 $0x0;
	s10 =	sadd.s32 $0xFFFFFD00, s9  }
0x89: {  	s0 =	smul.u32 s5, s0;
	s5 =	ssub.s32 $0x400, s9;
	p0 =	sgt.s32 s10, $0xFF  }
0x8a: {  	s4 =	sand.u32 $0x1F80, s31;
	s31 =	simm.s32 $0x10000;
	s5 =	simm.s32 @p0 $0x0  }
0x8b: {  	s3 =	sshrl.u32 s3, $0x3;
	s10 =	sshll.u32 s13, $0xD;
	s0 =	smul.u32 s5, s0  }
.Ltmp5:
0x8c: {  	s28 =	sshll.u32 s27, $0x12;
	s5 =	sadd.s32 s10, s7;
	(pc) =	sbr.rel .LBB1_7-.Ltmp5, $4  }
0x8d: {  	s29 =	sor.u32 $0x800, s28;
	s10 =	smov.u32 s8;
	s3 =	sadd.s32 s3, s5  }
0x8e: {  	s8 =	rddreg [dreg:$0x3];
	s0 =	sand.u32 $0x3FFFFFFF, s0;
	s3 =	sadd.s32 s4, s3  }
0x8f: {  	[hbm4b:s3+s29] =	stream.strided.scatter [tilespmem:s25], [sflag:$0x2], s0, s31, s29, $0x38;
	[tilespmem:$0x10000] =	vst v63  }
0x90: {  	s25 =	rddreg [dreg:$0x4]  }
.LBB1_8:
0x91: {  	_ =	sfence.sel $0x180000  }
0x92: {  	s0 =	simm.s32 $0x1;
	[bflag:$0x0] =	sbarrier.arrive $0xFFFF  }
0x93: {  	s30 =	simm.s32 $0x2;
	[sflag:s0] =	ssyncpa.u1 $0x1  }
0x94: {  	[sflag:s30] =	ssyncpa.u1 $0x1  }
0x95: {  	_ =	strace $0x9000004D  }
0x96: {  	s31 =	stileid.u32;
	[bflag:$0x2] =	sbarrier.arrive $0xFFFF  }
0x97: {  	p0 =	sne.s32 s31, $0x0;
	s0 =	rddreg [dreg:$0x2]  }
0x98: {  	s0 =	sadd.s32 @!p0 $0x100000, s0  }
0x99: {  	[sflag:s0] =	ssyncadd.tile.s32 @!p0 $0x1;
	_ =	shalt  }
.Lfunc_end1:
_tile_overlayer_lowered:
.L_overlay_start_2:
0x9a: {  	(tag) =	ssettag $0x2  }
0x9b: {  	s0 =	rddreg [dreg:$0x0];
	s2 =	stileid.u32  }
0x9c: {  	s1 =	rddreg [dreg:$0x1];
	p0 =	sne.s32 s2, $0x0  }
0x9d: {  	s3 =	rddreg [dreg:$0x2];
	[bflag:$0x3] =	sbarrier.arrive $0xFFFF;
	s2 =	simm.s32 @!p0 $0x1C01  }
0x9e: {  	[timem:s3], [sflag:s2] =	dma.local @!p0 [hbm:s0], s1  }
0x9f: {  	s0 =	simm.s32 @!p0 $0x1  }
0xa0: {  	_ =	swait.ge @!p0 [sflag:s0], s1  }
0xa1: {  	s1 =	ssub.s32 @!p0 $0x0, s1;
	[sflag:s0] =	ssyncset.done @!p0 $0x0  }
0xa2: {  	[sflag:s0] =	ssyncadd.s32 @!p0 s1  }
0xa3: {  	[bflag:$0x3] =	sbarrier.arrive $0xFFFF  }
0xa4: {  	_ =	shalt  }

</sc_bundles>
